<compile_context>
chip_gen: v7x
topology: tpu7x:2x2x1
jax: 0.10.2.dev20260603
libtpu: 0.0.44.dev20260713+nightly
codegen_flags: <defaults>
</compile_context>

<pallas_src>
import functools

import jax
import jax.numpy as jnp
from jax import lax
from jax.experimental import pallas as pl
from jax.experimental.pallas import tpu as pltpu
from jax.experimental.pallas import tpu_sc as plsc

S = 30.0

_NC, _NS, _L = 2, 16, 16
_NW = _NC * _NS
_CH = 20000
_RING = 4


def _rsqrt(u):
    i = lax.bitcast_convert_type(u, jnp.int32)
    i = jnp.full((_L,), 0x5F3759DF, jnp.int32) - lax.shift_right_logical(i, 1)
    r = lax.bitcast_convert_type(i, jnp.float32)
    for _ in range(4):
        r = r * (1.5 - 0.5 * u * r * r)
    return r


def _phi(v):
    u = (1.0 + v) * 0.5
    c = (2.0 * v - 1.0) * (u * _rsqrt(u))
    return jnp.where(v < -0.5, -c - 2.0, c)


def _sc_body(x_ref, y_ref, o_ref, b0, b1, b2, b3, yv, idxv, valv,
             i0, i1, i2, i3, o0, o1, o2, o3, fsem, *, C, per_w, iters, rpw):
    c = lax.axis_index("c")
    s = lax.axis_index("s")
    wid = s * _NC + c
    base = wid * per_w
    bufs = (b0, b1, b2, b3)
    isems = (i0, i1, i2, i3)
    osems = (o0, o1, o2, o3)

    def in_copy(t, slot):
        return pltpu.make_async_copy(
            x_ref.at[pl.ds(base + t * _CH, _CH)], bufs[slot], isems[slot])

    def out_copy(t, slot):
        return pltpu.make_async_copy(
            bufs[slot], o_ref.at[pl.ds(base + t * _CH, _CH)], osems[slot])

    in_copy(0, 0).start()
    in_copy(1, 1).start()

    def ring_step(g, carry):
        for b in range(_RING):
            t = g * _RING + b
            nslot = (b + 2) % _RING
            in_copy(t, b).wait()

            @pl.when(t >= 2)
            def _():
                out_copy(t - 2, nslot).wait()

            @pl.when(t + 2 < iters)
            def _():
                in_copy(t + 2, nslot).start()

            buf = bufs[b]

            @plsc.parallel_loop(0, _CH, step=_L, unroll=8)
            def _(i):
                sl = pl.ds(i, _L)
                buf[sl] = buf[sl] * S
            out_copy(t, b).start()
        return carry

    lax.fori_loop(0, iters // _RING, ring_step, 0)
    out_copy(iters - 2, (iters - 2) % _RING).wait()
    out_copy(iters - 1, (iters - 1) % _RING).wait()

    rb = wid * rpw
    pltpu.sync_copy(y_ref.at[pl.ds(rb, rpw)], yv)
    for j in range(rpw // _L):
        sl = pl.ds(j * _L, _L)
        rows = lax.iota(jnp.int32, _L) + (rb + j * _L)
        idxv[sl] = rows * C + yv[sl]
    pltpu.async_copy(x_ref.at[idxv], valv, fsem).wait()
    for j in range(rpw // _L):
        sl = pl.ds(j * _L, _L)
        valv[sl] = S * _phi(valv[sl])
    pltpu.async_copy(valv, o_ref.at[idxv], fsem).wait()


@jax.jit
def kernel(x, y):
    B, C = x.shape
    N = B * C
    per_w = N // _NW
    iters = per_w // _CH
    rpw = B // _NW
    body = functools.partial(_sc_body, C=C, per_w=per_w, iters=iters, rpw=rpw)
    run = pl.kernel(
        body,
        out_type=jax.ShapeDtypeStruct((N,), jnp.float32),
        mesh=plsc.VectorSubcoreMesh(core_axis_name="c", subcore_axis_name="s"),
        scratch_types=(
            [pltpu.VMEM((_CH,), jnp.float32) for _ in range(_RING)]
            + [pltpu.VMEM((rpw,), jnp.int32),
               pltpu.VMEM((rpw,), jnp.int32),
               pltpu.VMEM((rpw,), jnp.float32)]
            + [pltpu.SemaphoreType.DMA for _ in range(2 * _RING + 1)]
        ),
    )
    out = run(x.reshape(N), y.astype(jnp.int32))
    return out.reshape(B, C)

# --- scband reference (transcript-rebuilt; emitter-appended) ---
"""Pipeline reference for scband-sphere-face-26336739459512 (READ-ONLY COPY).

The authoritative reference and input builder live on the scoring server;
editing this copy changes nothing except your own understanding.
"""

import jax, jax.numpy as jnp
import numpy as np
import math

S = 30.0
M = 1.5

def setup_inputs(seed: int = 0) -> dict:
    key = jax.random.key(seed)
    k1, k2 = jax.random.split(key)
    B, C = 1024, 100000
    # cosine similarities must lie in [-1, 1]; uniform [0,1) is valid for arccos
    x = jax.random.uniform(k1, (B, C), dtype=jnp.float32)
    y = jax.random.randint(k2, (B,), 0, C, dtype=jnp.int64)
    return {"x": x, "y": y}

def reference(x, y):
    B = x.shape[0]
    # no_grad block -> stop_gradient on d_theta
    m_theta = jnp.arccos(x)
    rows = jnp.arange(B)
    # scatter_ with reduce='multiply' at (i, y_i)
    m_theta = m_theta.at[rows, y].multiply(M)
    k = jnp.floor(m_theta / math.pi)
    sign = -2.0 * jnp.remainder(k, 2.0) + 1.0
    phi_theta = sign * jnp.cos(m_theta) - 2.0 * k
    d_theta = jax.lax.stop_gradient(phi_theta - x)
    logits = S * (x + d_theta)
    return logits

if __name__ == "__main__":
    import jax
    _d = setup_inputs()
    print(jax.jit(kernel)(*tuple(_d.values())))

</pallas_src>

<mosaic_0001>
#map = affine_map<(d0, d1) -> (0)>
module attributes {stable_mosaic.version = 14 : i64} {
  func.func @_sc_body(%arg0: i32, %arg1: i32, %arg2: memref<102400000xf32, #tpu.memory_space<hbm>>, %arg3: memref<1024xi32, #tpu.memory_space<hbm>>, %arg4: memref<102400000xf32, #tpu.memory_space<hbm>>, %arg5: memref<20000xf32, #tpu.memory_space<vmem>>, %arg6: memref<20000xf32, #tpu.memory_space<vmem>>, %arg7: memref<20000xf32, #tpu.memory_space<vmem>>, %arg8: memref<20000xf32, #tpu.memory_space<vmem>>, %arg9: memref<32xi32, #tpu.memory_space<vmem>>, %arg10: memref<32xi32, #tpu.memory_space<vmem>>, %arg11: memref<32xf32, #tpu.memory_space<vmem>>, %arg12: memref<!tpu.dma_semaphore, #tpu.memory_space<semaphore_mem>>, %arg13: memref<!tpu.dma_semaphore, #tpu.memory_space<semaphore_mem>>, %arg14: memref<!tpu.dma_semaphore, #tpu.memory_space<semaphore_mem>>, %arg15: memref<!tpu.dma_semaphore, #tpu.memory_space<semaphore_mem>>, %arg16: memref<!tpu.dma_semaphore, #tpu.memory_space<semaphore_mem>>, %arg17: memref<!tpu.dma_semaphore, #tpu.memory_space<semaphore_mem>>, %arg18: memref<!tpu.dma_semaphore, #tpu.memory_space<semaphore_mem>>, %arg19: memref<!tpu.dma_semaphore, #tpu.memory_space<semaphore_mem>>, %arg20: memref<!tpu.dma_semaphore, #tpu.memory_space<semaphore_mem>>) attributes {dimension_semantics = [#tpu.dimension_semantics<core_parallel>, #tpu.dimension_semantics<subcore_parallel>], iteration_bounds = array<i64: 2, 16>, scalar_prefetch = 0 : i64, scratch_operands = 16 : i64, tpu.core_type = #tpu.core_type<sc_vector_subcore>, window_params = [{transform_indices = #map}, {transform_indices = #map}, {transform_indices = #map}]} {
    %mul3A = arith.constant 2 : i32
    %mul3A_0 = arith.muli %arg1, %mul3A : i32
    %add3A = arith.addi %mul3A_0, %arg0 : i32
    %mul3A_1 = arith.constant 3200000 : i32
    %mul3A_2 = arith.muli %add3A, %mul3A_1 : i32
    %add3A_3 = arith.constant 0 : i32
    %add3A_4 = arith.addi %mul3A_2, %add3A_3 : i32
    %dma_start3A = tpu.memref_slice %arg2[%add3A_4] : memref<102400000xf32, #tpu.memory_space<hbm>> -> memref<20000xf32, #tpu.memory_space<hbm>>
    %dma_start3A_5 = tpu.memref_slice %arg2[%add3A_4] : memref<102400000xf32, #tpu.memory_space<hbm>> -> memref<20000xf32, #tpu.memory_space<hbm>>
    tpu.enqueue_dma source(%dma_start3A_5 : memref<20000xf32, #tpu.memory_space<hbm>>) target(%arg5 : memref<20000xf32, #tpu.memory_space<vmem>>) target_semaphore(%arg12 : memref<!tpu.dma_semaphore, #tpu.memory_space<semaphore_mem>>)
    %add3A_6 = arith.constant 20000 : i32
    %add3A_7 = arith.addi %mul3A_2, %add3A_6 : i32
    %dma_start3A_8 = tpu.memref_slice %arg2[%add3A_7] : memref<102400000xf32, #tpu.memory_space<hbm>> -> memref<20000xf32, #tpu.memory_space<hbm>>
    %dma_start3A_9 = tpu.memref_slice %arg2[%add3A_7] : memref<102400000xf32, #tpu.memory_space<hbm>> -> memref<20000xf32, #tpu.memory_space<hbm>>
    tpu.enqueue_dma source(%dma_start3A_9 : memref<20000xf32, #tpu.memory_space<hbm>>) target(%arg6 : memref<20000xf32, #tpu.memory_space<vmem>>) target_semaphore(%arg13 : memref<!tpu.dma_semaphore, #tpu.memory_space<semaphore_mem>>)
    %scan3A = arith.constant 0 : i32
    %scan3A_10 = arith.constant 0 : i32
    %scan3A_11 = arith.constant 40 : i32
    %scan3A_12 = arith.addi %scan3A_10, %scan3A_11 : i32
    %scan3A_13 = arith.constant 1 : i32
    scf.for %scan3A_210 = %scan3A_10 to %scan3A_12 step %scan3A_13  : i32 {
      %mul3A_211 = arith.constant 4 : i32
      %mul3A_212 = arith.muli %scan3A_210, %mul3A_211 : i32
      %add3A_213 = arith.constant 0 : i32
      %add3A_214 = arith.addi %mul3A_212, %add3A_213 : i32
      %mul3A_215 = arith.constant 20000 : i32
      %mul3A_216 = arith.muli %add3A_214, %mul3A_215 : i32
      %add3A_217 = arith.addi %mul3A_2, %mul3A_216 : i32
      %dma_wait3A_218 = tpu.memref_slice %arg2[%add3A_217] : memref<102400000xf32, #tpu.memory_space<hbm>> -> memref<20000xf32, #tpu.memory_space<hbm>>
      %dma_wait3A_219 = tpu.memref_slice %arg2[%add3A_217] : memref<102400000xf32, #tpu.memory_space<hbm>> -> memref<20000xf32, #tpu.memory_space<hbm>>
      tpu.wait_dma2 semaphore(%arg12 : memref<!tpu.dma_semaphore, #tpu.memory_space<semaphore_mem>>) src(%dma_wait3A_219 : memref<20000xf32, #tpu.memory_space<hbm>>) dst(%arg5 : memref<20000xf32, #tpu.memory_space<vmem>>)
      %ge3A = arith.constant 2 : i32
      %ge3A_220 = arith.cmpi sge, %add3A_214, %ge3A : i32
      %convert_element_type3A = arith.extui %ge3A_220 : i1 to i32
      %cond3A = arith.constant 0 : i32
      %cond3A_221 = arith.cmpi ne, %convert_element_type3A, %cond3A : i32
      scf.if %cond3A_221 {
        %sub3A_323 = arith.constant 2 : i32
        %sub3A_324 = arith.subi %add3A_214, %sub3A_323 : i32
        %mul3A_325 = arith.constant 20000 : i32
        %mul3A_326 = arith.muli %sub3A_324, %mul3A_325 : i32
        %add3A_327 = arith.addi %mul3A_2, %mul3A_326 : i32
        %dma_wait3A_328 = tpu.memref_slice %arg4[%add3A_327] : memref<102400000xf32, #tpu.memory_space<hbm>> -> memref<20000xf32, #tpu.memory_space<hbm>>
        %dma_wait3A_329 = tpu.memref_slice %arg4[%add3A_327] : memref<102400000xf32, #tpu.memory_space<hbm>> -> memref<20000xf32, #tpu.memory_space<hbm>>
        tpu.wait_dma2 semaphore(%arg18 : memref<!tpu.dma_semaphore, #tpu.memory_space<semaphore_mem>>) src(%arg7 : memref<20000xf32, #tpu.memory_space<vmem>>) dst(%dma_wait3A_329 : memref<20000xf32, #tpu.memory_space<hbm>>)
      } else {
      }
      %add3A_222 = arith.constant 2 : i32
      %add3A_223 = arith.addi %add3A_214, %add3A_222 : i32
      %lt3A_224 = arith.constant 160 : i32
      %lt3A_225 = arith.cmpi slt, %add3A_223, %lt3A_224 : i32
      %convert_element_type3A_226 = arith.extui %lt3A_225 : i1 to i32
      %cond3A_227 = arith.constant 0 : i32
      %cond3A_228 = arith.cmpi ne, %convert_element_type3A_226, %cond3A_227 : i32
      scf.if %cond3A_228 {
        %add3A_323 = arith.constant 2 : i32
        %add3A_324 = arith.addi %add3A_214, %add3A_323 : i32
        %mul3A_325 = arith.constant 20000 : i32
        %mul3A_326 = arith.muli %add3A_324, %mul3A_325 : i32
        %add3A_327 = arith.addi %mul3A_2, %mul3A_326 : i32
        %dma_start3A_328 = tpu.memref_slice %arg2[%add3A_327] : memref<102400000xf32, #tpu.memory_space<hbm>> -> memref<20000xf32, #tpu.memory_space<hbm>>
        %dma_start3A_329 = tpu.memref_slice %arg2[%add3A_327] : memref<102400000xf32, #tpu.memory_space<hbm>> -> memref<20000xf32, #tpu.memory_space<hbm>>
        tpu.enqueue_dma source(%dma_start3A_329 : memref<20000xf32, #tpu.memory_space<hbm>>) target(%arg7 : memref<20000xf32, #tpu.memory_space<vmem>>) target_semaphore(%arg14 : memref<!tpu.dma_semaphore, #tpu.memory_space<semaphore_mem>>)
      } else {
      }
      %parallel_loop3A = arith.constant 0 : i32
      %parallel_loop3A_229 = arith.constant 20000 : i32
      %parallel_loop3A_230 = arith.constant 16 : i32
      scf.for %parallel_loop3A_323 = %parallel_loop3A to %parallel_loop3A_229 step %parallel_loop3A_230  : i32 {
        %parallel_loop3A_324 = arith.index_cast %parallel_loop3A_323 : i32 to index
        %parallel_loop3A_325 = tpu.vector_load %arg5[%parallel_loop3A_324] {strides = array<i32>} : memref<20000xf32, #tpu.memory_space<vmem>>, vector<16xf32>,
        %parallel_loop3A_326 = vector.shape_cast %parallel_loop3A_325 : vector<16xf32> to vector<16xf32>
        %parallel_loop3A_327 = arith.constant 3.000000e+01 : f32
        %parallel_loop3A_328 = vector.broadcast %parallel_loop3A_327 : f32 to vector<16xf32>
        %parallel_loop3A_329 = arith.mulf %parallel_loop3A_326, %parallel_loop3A_328 : vector<16xf32>
        %parallel_loop3A_330 = arith.index_cast %parallel_loop3A_323 : i32 to index
        %parallel_loop3A_331 = tpu.vector_load %arg5[%parallel_loop3A_330] {strides = array<i32>} : memref<20000xf32, #tpu.memory_space<vmem>>, vector<16xf32>,
        %parallel_loop3A_332 = vector.shape_cast %parallel_loop3A_331 : vector<16xf32> to vector<16xf32>
        %parallel_loop3A_333 = vector.shape_cast %parallel_loop3A_329 : vector<16xf32> to vector<16xf32>
        tpu.vector_store %arg5[%parallel_loop3A_330], %parallel_loop3A_333 {strides = array<i32>} : memref<20000xf32, #tpu.memory_space<vmem>>, vector<16xf32>,
      } {sc.loop_unroll_factor = 8 : i64, sc.parallel_access}
      %mul3A_231 = arith.constant 20000 : i32
      %mul3A_232 = arith.muli %add3A_214, %mul3A_231 : i32
      %add3A_233 = arith.addi %mul3A_2, %mul3A_232 : i32
      %dma_start3A_234 = tpu.memref_slice %arg4[%add3A_233] : memref<102400000xf32, #tpu.memory_space<hbm>> -> memref<20000xf32, #tpu.memory_space<hbm>>
      %dma_start3A_235 = tpu.memref_slice %arg4[%add3A_233] : memref<102400000xf32, #tpu.memory_space<hbm>> -> memref<20000xf32, #tpu.memory_space<hbm>>
      tpu.enqueue_dma source(%arg5 : memref<20000xf32, #tpu.memory_space<vmem>>) target(%dma_start3A_235 : memref<20000xf32, #tpu.memory_space<hbm>>) target_semaphore(%arg16 : memref<!tpu.dma_semaphore, #tpu.memory_space<semaphore_mem>>)
      %mul3A_236 = arith.constant 4 : i32
      %mul3A_237 = arith.muli %scan3A_210, %mul3A_236 : i32
      %add3A_238 = arith.constant 1 : i32
      %add3A_239 = arith.addi %mul3A_237, %add3A_238 : i32
      %mul3A_240 = arith.constant 20000 : i32
      %mul3A_241 = arith.muli %add3A_239, %mul3A_240 : i32
      %add3A_242 = arith.addi %mul3A_2, %mul3A_241 : i32
      %dma_wait3A_243 = tpu.memref_slice %arg2[%add3A_242] : memref<102400000xf32, #tpu.memory_space<hbm>> -> memref<20000xf32, #tpu.memory_space<hbm>>
      %dma_wait3A_244 = tpu.memref_slice %arg2[%add3A_242] : memref<102400000xf32, #tpu.memory_space<hbm>> -> memref<20000xf32, #tpu.memory_space<hbm>>
      tpu.wait_dma2 semaphore(%arg13 : memref<!tpu.dma_semaphore, #tpu.memory_space<semaphore_mem>>) src(%dma_wait3A_244 : memref<20000xf32, #tpu.memory_space<hbm>>) dst(%arg6 : memref<20000xf32, #tpu.memory_space<vmem>>)
      %ge3A_245 = arith.constant 2 : i32
      %ge3A_246 = arith.cmpi sge, %add3A_239, %ge3A_245 : i32
      %convert_element_type3A_247 = arith.extui %ge3A_246 : i1 to i32
      %cond3A_248 = arith.constant 0 : i32
      %cond3A_249 = arith.cmpi ne, %convert_element_type3A_247, %cond3A_248 : i32
      scf.if %cond3A_249 {
        %sub3A_323 = arith.constant 2 : i32
        %sub3A_324 = arith.subi %add3A_239, %sub3A_323 : i32
        %mul3A_325 = arith.constant 20000 : i32
        %mul3A_326 = arith.muli %sub3A_324, %mul3A_325 : i32
        %add3A_327 = arith.addi %mul3A_2, %mul3A_326 : i32
        %dma_wait3A_328 = tpu.memref_slice %arg4[%add3A_327] : memref<102400000xf32, #tpu.memory_space<hbm>> -> memref<20000xf32, #tpu.memory_space<hbm>>
        %dma_wait3A_329 = tpu.memref_slice %arg4[%add3A_327] : memref<102400000xf32, #tpu.memory_space<hbm>> -> memref<20000xf32, #tpu.memory_space<hbm>>
        tpu.wait_dma2 semaphore(%arg19 : memref<!tpu.dma_semaphore, #tpu.memory_space<semaphore_mem>>) src(%arg8 : memref<20000xf32, #tpu.memory_space<vmem>>) dst(%dma_wait3A_329 : memref<20000xf32, #tpu.memory_space<hbm>>)
      } else {
      }
      %add3A_250 = arith.constant 2 : i32
      %add3A_251 = arith.addi %add3A_239, %add3A_250 : i32
      %lt3A_252 = arith.constant 160 : i32
      %lt3A_253 = arith.cmpi slt, %add3A_251, %lt3A_252 : i32
      %convert_element_type3A_254 = arith.extui %lt3A_253 : i1 to i32
      %cond3A_255 = arith.constant 0 : i32
      %cond3A_256 = arith.cmpi ne, %convert_element_type3A_254, %cond3A_255 : i32
      scf.if %cond3A_256 {
        %add3A_323 = arith.constant 2 : i32
        %add3A_324 = arith.addi %add3A_239, %add3A_323 : i32
        %mul3A_325 = arith.constant 20000 : i32
        %mul3A_326 = arith.muli %add3A_324, %mul3A_325 : i32
        %add3A_327 = arith.addi %mul3A_2, %mul3A_326 : i32
        %dma_start3A_328 = tpu.memref_slice %arg2[%add3A_327] : memref<102400000xf32, #tpu.memory_space<hbm>> -> memref<20000xf32, #tpu.memory_space<hbm>>
        %dma_start3A_329 = tpu.memref_slice %arg2[%add3A_327] : memref<102400000xf32, #tpu.memory_space<hbm>> -> memref<20000xf32, #tpu.memory_space<hbm>>
        tpu.enqueue_dma source(%dma_start3A_329 : memref<20000xf32, #tpu.memory_space<hbm>>) target(%arg8 : memref<20000xf32, #tpu.memory_space<vmem>>) target_semaphore(%arg15 : memref<!tpu.dma_semaphore, #tpu.memory_space<semaphore_mem>>)
      } else {
      }
      %parallel_loop3A_257 = arith.constant 0 : i32
      %parallel_loop3A_258 = arith.constant 20000 : i32
      %parallel_loop3A_259 = arith.constant 16 : i32
      scf.for %parallel_loop3A_323 = %parallel_loop3A_257 to %parallel_loop3A_258 step %parallel_loop3A_259  : i32 {
        %parallel_loop3A_324 = arith.index_cast %parallel_loop3A_323 : i32 to index
        %parallel_loop3A_325 = tpu.vector_load %arg6[%parallel_loop3A_324] {strides = array<i32>} : memref<20000xf32, #tpu.memory_space<vmem>>, vector<16xf32>,
        %parallel_loop3A_326 = vector.shape_cast %parallel_loop3A_325 : vector<16xf32> to vector<16xf32>
        %parallel_loop3A_327 = arith.constant 3.000000e+01 : f32
        %parallel_loop3A_328 = vector.broadcast %parallel_loop3A_327 : f32 to vector<16xf32>
        %parallel_loop3A_329 = arith.mulf %parallel_loop3A_326, %parallel_loop3A_328 : vector<16xf32>
        %parallel_loop3A_330 = arith.index_cast %parallel_loop3A_323 : i32 to index
        %parallel_loop3A_331 = tpu.vector_load %arg6[%parallel_loop3A_330] {strides = array<i32>} : memref<20000xf32, #tpu.memory_space<vmem>>, vector<16xf32>,
        %parallel_loop3A_332 = vector.shape_cast %parallel_loop3A_331 : vector<16xf32> to vector<16xf32>
        %parallel_loop3A_333 = vector.shape_cast %parallel_loop3A_329 : vector<16xf32> to vector<16xf32>
        tpu.vector_store %arg6[%parallel_loop3A_330], %parallel_loop3A_333 {strides = array<i32>} : memref<20000xf32, #tpu.memory_space<vmem>>, vector<16xf32>,
      } {sc.loop_unroll_factor = 8 : i64, sc.parallel_access}
      %mul3A_260 = arith.constant 20000 : i32
      %mul3A_261 = arith.muli %add3A_239, %mul3A_260 : i32
      %add3A_262 = arith.addi %mul3A_2, %mul3A_261 : i32
      %dma_start3A_263 = tpu.memref_slice %arg4[%add3A_262] : memref<102400000xf32, #tpu.memory_space<hbm>> -> memref<20000xf32, #tpu.memory_space<hbm>>
      %dma_start3A_264 = tpu.memref_slice %arg4[%add3A_262] : memref<102400000xf32, #tpu.memory_space<hbm>> -> memref<20000xf32, #tpu.memory_space<hbm>>
      tpu.enqueue_dma source(%arg6 : memref<20000xf32, #tpu.memory_space<vmem>>) target(%dma_start3A_264 : memref<20000xf32, #tpu.memory_space<hbm>>) target_semaphore(%arg17 : memref<!tpu.dma_semaphore, #tpu.memory_space<semaphore_mem>>)
      %mul3A_265 = arith.constant 4 : i32
      %mul3A_266 = arith.muli %scan3A_210, %mul3A_265 : i32
      %add3A_267 = arith.constant 2 : i32
      %add3A_268 = arith.addi %mul3A_266, %add3A_267 : i32
      %mul3A_269 = arith.constant 20000 : i32
      %mul3A_270 = arith.muli %add3A_268, %mul3A_269 : i32
      %add3A_271 = arith.addi %mul3A_2, %mul3A_270 : i32
      %dma_wait3A_272 = tpu.memref_slice %arg2[%add3A_271] : memref<102400000xf32, #tpu.memory_space<hbm>> -> memref<20000xf32, #tpu.memory_space<hbm>>
      %dma_wait3A_273 = tpu.memref_slice %arg2[%add3A_271] : memref<102400000xf32, #tpu.memory_space<hbm>> -> memref<20000xf32, #tpu.memory_space<hbm>>
      tpu.wait_dma2 semaphore(%arg14 : memref<!tpu.dma_semaphore, #tpu.memory_space<semaphore_mem>>) src(%dma_wait3A_273 : memref<20000xf32, #tpu.memory_space<hbm>>) dst(%arg7 : memref<20000xf32, #tpu.memory_space<vmem>>)
      %ge3A_274 = arith.constant 2 : i32
      %ge3A_275 = arith.cmpi sge, %add3A_268, %ge3A_274 : i32
      %convert_element_type3A_276 = arith.extui %ge3A_275 : i1 to i32
      %cond3A_277 = arith.constant 0 : i32
      %cond3A_278 = arith.cmpi ne, %convert_element_type3A_276, %cond3A_277 : i32
      scf.if %cond3A_278 {
        %sub3A_323 = arith.constant 2 : i32
        %sub3A_324 = arith.subi %add3A_268, %sub3A_323 : i32
        %mul3A_325 = arith.constant 20000 : i32
        %mul3A_326 = arith.muli %sub3A_324, %mul3A_325 : i32
        %add3A_327 = arith.addi %mul3A_2, %mul3A_326 : i32
        %dma_wait3A_328 = tpu.memref_slice %arg4[%add3A_327] : memref<102400000xf32, #tpu.memory_space<hbm>> -> memref<20000xf32, #tpu.memory_space<hbm>>
        %dma_wait3A_329 = tpu.memref_slice %arg4[%add3A_327] : memref<102400000xf32, #tpu.memory_space<hbm>> -> memref<20000xf32, #tpu.memory_space<hbm>>
        tpu.wait_dma2 semaphore(%arg16 : memref<!tpu.dma_semaphore, #tpu.memory_space<semaphore_mem>>) src(%arg5 : memref<20000xf32, #tpu.memory_space<vmem>>) dst(%dma_wait3A_329 : memref<20000xf32, #tpu.memory_space<hbm>>)
      } else {
      }
      %add3A_279 = arith.constant 2 : i32
      %add3A_280 = arith.addi %add3A_268, %add3A_279 : i32
      %lt3A_281 = arith.constant 160 : i32
      %lt3A_282 = arith.cmpi slt, %add3A_280, %lt3A_281 : i32
      %convert_element_type3A_283 = arith.extui %lt3A_282 : i1 to i32
      %cond3A_284 = arith.constant 0 : i32
      %cond3A_285 = arith.cmpi ne, %convert_element_type3A_283, %cond3A_284 : i32
      scf.if %cond3A_285 {
        %add3A_323 = arith.constant 2 : i32
        %add3A_324 = arith.addi %add3A_268, %add3A_323 : i32
        %mul3A_325 = arith.constant 20000 : i32
        %mul3A_326 = arith.muli %add3A_324, %mul3A_325 : i32
        %add3A_327 = arith.addi %mul3A_2, %mul3A_326 : i32
        %dma_start3A_328 = tpu.memref_slice %arg2[%add3A_327] : memref<102400000xf32, #tpu.memory_space<hbm>> -> memref<20000xf32, #tpu.memory_space<hbm>>
        %dma_start3A_329 = tpu.memref_slice %arg2[%add3A_327] : memref<102400000xf32, #tpu.memory_space<hbm>> -> memref<20000xf32, #tpu.memory_space<hbm>>
        tpu.enqueue_dma source(%dma_start3A_329 : memref<20000xf32, #tpu.memory_space<hbm>>) target(%arg5 : memref<20000xf32, #tpu.memory_space<vmem>>) target_semaphore(%arg12 : memref<!tpu.dma_semaphore, #tpu.memory_space<semaphore_mem>>)
      } else {
      }
      %parallel_loop3A_286 = arith.constant 0 : i32
      %parallel_loop3A_287 = arith.constant 20000 : i32
      %parallel_loop3A_288 = arith.constant 16 : i32
      scf.for %parallel_loop3A_323 = %parallel_loop3A_286 to %parallel_loop3A_287 step %parallel_loop3A_288  : i32 {
        %parallel_loop3A_324 = arith.index_cast %parallel_loop3A_323 : i32 to index
        %parallel_loop3A_325 = tpu.vector_load %arg7[%parallel_loop3A_324] {strides = array<i32>} : memref<20000xf32, #tpu.memory_space<vmem>>, vector<16xf32>,
        %parallel_loop3A_326 = vector.shape_cast %parallel_loop3A_325 : vector<16xf32> to vector<16xf32>
        %parallel_loop3A_327 = arith.constant 3.000000e+01 : f32
        %parallel_loop3A_328 = vector.broadcast %parallel_loop3A_327 : f32 to vector<16xf32>
        %parallel_loop3A_329 = arith.mulf %parallel_loop3A_326, %parallel_loop3A_328 : vector<16xf32>
        %parallel_loop3A_330 = arith.index_cast %parallel_loop3A_323 : i32 to index
        %parallel_loop3A_331 = tpu.vector_load %arg7[%parallel_loop3A_330] {strides = array<i32>} : memref<20000xf32, #tpu.memory_space<vmem>>, vector<16xf32>,
        %parallel_loop3A_332 = vector.shape_cast %parallel_loop3A_331 : vector<16xf32> to vector<16xf32>
        %parallel_loop3A_333 = vector.shape_cast %parallel_loop3A_329 : vector<16xf32> to vector<16xf32>
        tpu.vector_store %arg7[%parallel_loop3A_330], %parallel_loop3A_333 {strides = array<i32>} : memref<20000xf32, #tpu.memory_space<vmem>>, vector<16xf32>,
      } {sc.loop_unroll_factor = 8 : i64, sc.parallel_access}
      %mul3A_289 = arith.constant 20000 : i32
      %mul3A_290 = arith.muli %add3A_268, %mul3A_289 : i32
      %add3A_291 = arith.addi %mul3A_2, %mul3A_290 : i32
      %dma_start3A_292 = tpu.memref_slice %arg4[%add3A_291] : memref<102400000xf32, #tpu.memory_space<hbm>> -> memref<20000xf32, #tpu.memory_space<hbm>>
      %dma_start3A_293 = tpu.memref_slice %arg4[%add3A_291] : memref<102400000xf32, #tpu.memory_space<hbm>> -> memref<20000xf32, #tpu.memory_space<hbm>>
      tpu.enqueue_dma source(%arg7 : memref<20000xf32, #tpu.memory_space<vmem>>) target(%dma_start3A_293 : memref<20000xf32, #tpu.memory_space<hbm>>) target_semaphore(%arg18 : memref<!tpu.dma_semaphore, #tpu.memory_space<semaphore_mem>>)
      %mul3A_294 = arith.constant 4 : i32
      %mul3A_295 = arith.muli %scan3A_210, %mul3A_294 : i32
      %add3A_296 = arith.constant 3 : i32
      %add3A_297 = arith.addi %mul3A_295, %add3A_296 : i32
      %mul3A_298 = arith.constant 20000 : i32
      %mul3A_299 = arith.muli %add3A_297, %mul3A_298 : i32
      %add3A_300 = arith.addi %mul3A_2, %mul3A_299 : i32
      %dma_wait3A_301 = tpu.memref_slice %arg2[%add3A_300] : memref<102400000xf32, #tpu.memory_space<hbm>> -> memref<20000xf32, #tpu.memory_space<hbm>>
      %dma_wait3A_302 = tpu.memref_slice %arg2[%add3A_300] : memref<102400000xf32, #tpu.memory_space<hbm>> -> memref<20000xf32, #tpu.memory_space<hbm>>
      tpu.wait_dma2 semaphore(%arg15 : memref<!tpu.dma_semaphore, #tpu.memory_space<semaphore_mem>>) src(%dma_wait3A_302 : memref<20000xf32, #tpu.memory_space<hbm>>) dst(%arg8 : memref<20000xf32, #tpu.memory_space<vmem>>)
      %ge3A_303 = arith.constant 2 : i32
      %ge3A_304 = arith.cmpi sge, %add3A_297, %ge3A_303 : i32
      %convert_element_type3A_305 = arith.extui %ge3A_304 : i1 to i32
      %cond3A_306 = arith.constant 0 : i32
      %cond3A_307 = arith.cmpi ne, %convert_element_type3A_305, %cond3A_306 : i32
      scf.if %cond3A_307 {
        %sub3A_323 = arith.constant 2 : i32
        %sub3A_324 = arith.subi %add3A_297, %sub3A_323 : i32
        %mul3A_325 = arith.constant 20000 : i32
        %mul3A_326 = arith.muli %sub3A_324, %mul3A_325 : i32
        %add3A_327 = arith.addi %mul3A_2, %mul3A_326 : i32
        %dma_wait3A_328 = tpu.memref_slice %arg4[%add3A_327] : memref<102400000xf32, #tpu.memory_space<hbm>> -> memref<20000xf32, #tpu.memory_space<hbm>>
        %dma_wait3A_329 = tpu.memref_slice %arg4[%add3A_327] : memref<102400000xf32, #tpu.memory_space<hbm>> -> memref<20000xf32, #tpu.memory_space<hbm>>
        tpu.wait_dma2 semaphore(%arg17 : memref<!tpu.dma_semaphore, #tpu.memory_space<semaphore_mem>>) src(%arg6 : memref<20000xf32, #tpu.memory_space<vmem>>) dst(%dma_wait3A_329 : memref<20000xf32, #tpu.memory_space<hbm>>)
      } else {
      }
      %add3A_308 = arith.constant 2 : i32
      %add3A_309 = arith.addi %add3A_297, %add3A_308 : i32
      %lt3A_310 = arith.constant 160 : i32
      %lt3A_311 = arith.cmpi slt, %add3A_309, %lt3A_310 : i32
      %convert_element_type3A_312 = arith.extui %lt3A_311 : i1 to i32
      %cond3A_313 = arith.constant 0 : i32
      %cond3A_314 = arith.cmpi ne, %convert_element_type3A_312, %cond3A_313 : i32
      scf.if %cond3A_314 {
        %add3A_323 = arith.constant 2 : i32
        %add3A_324 = arith.addi %add3A_297, %add3A_323 : i32
        %mul3A_325 = arith.constant 20000 : i32
        %mul3A_326 = arith.muli %add3A_324, %mul3A_325 : i32
        %add3A_327 = arith.addi %mul3A_2, %mul3A_326 : i32
        %dma_start3A_328 = tpu.memref_slice %arg2[%add3A_327] : memref<102400000xf32, #tpu.memory_space<hbm>> -> memref<20000xf32, #tpu.memory_space<hbm>>
        %dma_start3A_329 = tpu.memref_slice %arg2[%add3A_327] : memref<102400000xf32, #tpu.memory_space<hbm>> -> memref<20000xf32, #tpu.memory_space<hbm>>
        tpu.enqueue_dma source(%dma_start3A_329 : memref<20000xf32, #tpu.memory_space<hbm>>) target(%arg6 : memref<20000xf32, #tpu.memory_space<vmem>>) target_semaphore(%arg13 : memref<!tpu.dma_semaphore, #tpu.memory_space<semaphore_mem>>)
      } else {
      }
      %parallel_loop3A_315 = arith.constant 0 : i32
      %parallel_loop3A_316 = arith.constant 20000 : i32
      %parallel_loop3A_317 = arith.constant 16 : i32
      scf.for %parallel_loop3A_323 = %parallel_loop3A_315 to %parallel_loop3A_316 step %parallel_loop3A_317  : i32 {
        %parallel_loop3A_324 = arith.index_cast %parallel_loop3A_323 : i32 to index
        %parallel_loop3A_325 = tpu.vector_load %arg8[%parallel_loop3A_324] {strides = array<i32>} : memref<20000xf32, #tpu.memory_space<vmem>>, vector<16xf32>,
        %parallel_loop3A_326 = vector.shape_cast %parallel_loop3A_325 : vector<16xf32> to vector<16xf32>
        %parallel_loop3A_327 = arith.constant 3.000000e+01 : f32
        %parallel_loop3A_328 = vector.broadcast %parallel_loop3A_327 : f32 to vector<16xf32>
        %parallel_loop3A_329 = arith.mulf %parallel_loop3A_326, %parallel_loop3A_328 : vector<16xf32>
        %parallel_loop3A_330 = arith.index_cast %parallel_loop3A_323 : i32 to index
        %parallel_loop3A_331 = tpu.vector_load %arg8[%parallel_loop3A_330] {strides = array<i32>} : memref<20000xf32, #tpu.memory_space<vmem>>, vector<16xf32>,
        %parallel_loop3A_332 = vector.shape_cast %parallel_loop3A_331 : vector<16xf32> to vector<16xf32>
        %parallel_loop3A_333 = vector.shape_cast %parallel_loop3A_329 : vector<16xf32> to vector<16xf32>
        tpu.vector_store %arg8[%parallel_loop3A_330], %parallel_loop3A_333 {strides = array<i32>} : memref<20000xf32, #tpu.memory_space<vmem>>, vector<16xf32>,
      } {sc.loop_unroll_factor = 8 : i64, sc.parallel_access}
      %mul3A_318 = arith.constant 20000 : i32
      %mul3A_319 = arith.muli %add3A_297, %mul3A_318 : i32
      %add3A_320 = arith.addi %mul3A_2, %mul3A_319 : i32
      %dma_start3A_321 = tpu.memref_slice %arg4[%add3A_320] : memref<102400000xf32, #tpu.memory_space<hbm>> -> memref<20000xf32, #tpu.memory_space<hbm>>
      %dma_start3A_322 = tpu.memref_slice %arg4[%add3A_320] : memref<102400000xf32, #tpu.memory_space<hbm>> -> memref<20000xf32, #tpu.memory_space<hbm>>
      tpu.enqueue_dma source(%arg8 : memref<20000xf32, #tpu.memory_space<vmem>>) target(%dma_start3A_322 : memref<20000xf32, #tpu.memory_space<hbm>>) target_semaphore(%arg19 : memref<!tpu.dma_semaphore, #tpu.memory_space<semaphore_mem>>)
    }
    %scan3A_14 = arith.constant 40 : i32
    %add3A_15 = arith.constant 3160000 : i32
    %add3A_16 = arith.addi %mul3A_2, %add3A_15 : i32
    %dma_wait3A = tpu.memref_slice %arg4[%add3A_16] : memref<102400000xf32, #tpu.memory_space<hbm>> -> memref<20000xf32, #tpu.memory_space<hbm>>
    %dma_wait3A_17 = tpu.memref_slice %arg4[%add3A_16] : memref<102400000xf32, #tpu.memory_space<hbm>> -> memref<20000xf32, #tpu.memory_space<hbm>>
    tpu.wait_dma2 semaphore(%arg18 : memref<!tpu.dma_semaphore, #tpu.memory_space<semaphore_mem>>) src(%arg7 : memref<20000xf32, #tpu.memory_space<vmem>>) dst(%dma_wait3A_17 : memref<20000xf32, #tpu.memory_space<hbm>>)
    %add3A_18 = arith.constant 3180000 : i32
    %add3A_19 = arith.addi %mul3A_2, %add3A_18 : i32
    %dma_wait3A_20 = tpu.memref_slice %arg4[%add3A_19] : memref<102400000xf32, #tpu.memory_space<hbm>> -> memref<20000xf32, #tpu.memory_space<hbm>>
    %dma_wait3A_21 = tpu.memref_slice %arg4[%add3A_19] : memref<102400000xf32, #tpu.memory_space<hbm>> -> memref<20000xf32, #tpu.memory_space<hbm>>
    tpu.wait_dma2 semaphore(%arg19 : memref<!tpu.dma_semaphore, #tpu.memory_space<semaphore_mem>>) src(%arg8 : memref<20000xf32, #tpu.memory_space<vmem>>) dst(%dma_wait3A_21 : memref<20000xf32, #tpu.memory_space<hbm>>)
    %mul3A_22 = arith.constant 32 : i32
    %mul3A_23 = arith.muli %add3A, %mul3A_22 : i32
    "tpu.region"() ({
      %run_scoped3A = tpu.sem_alloc : memref<!tpu.dma_semaphore, #tpu.memory_space<semaphore_mem>>
      %dma_start3A_210 = tpu.memref_slice %arg3[%mul3A_23] : memref<1024xi32, #tpu.memory_space<hbm>> -> memref<32xi32, #tpu.memory_space<hbm>>
      %dma_start3A_211 = tpu.memref_slice %arg3[%mul3A_23] : memref<1024xi32, #tpu.memory_space<hbm>> -> memref<32xi32, #tpu.memory_space<hbm>>
      tpu.enqueue_dma source(%dma_start3A_211 : memref<32xi32, #tpu.memory_space<hbm>>) target(%arg9 : memref<32xi32, #tpu.memory_space<vmem>>) target_semaphore(%run_scoped3A : memref<!tpu.dma_semaphore, #tpu.memory_space<semaphore_mem>>)
      %dma_wait3A_212 = tpu.memref_slice %arg3[%mul3A_23] : memref<1024xi32, #tpu.memory_space<hbm>> -> memref<32xi32, #tpu.memory_space<hbm>>
      %dma_wait3A_213 = tpu.memref_slice %arg3[%mul3A_23] : memref<1024xi32, #tpu.memory_space<hbm>> -> memref<32xi32, #tpu.memory_space<hbm>>
      tpu.wait_dma2 semaphore(%run_scoped3A : memref<!tpu.dma_semaphore, #tpu.memory_space<semaphore_mem>>) src(%dma_wait3A_213 : memref<32xi32, #tpu.memory_space<hbm>>) dst(%arg9 : memref<32xi32, #tpu.memory_space<vmem>>)
      tpu.yield
    }) : () -> ()
    %iota3A = tpu.iota {dimensions = array<i32: 0>} : vector<16xi32>
    %add3A_24 = arith.constant 0 : i32
    %add3A_25 = arith.addi %mul3A_23, %add3A_24 : i32
    %add3A_26 = vector.broadcast %add3A_25 : i32 to vector<16xi32>
    %add3A_27 = arith.addi %iota3A, %add3A_26 : vector<16xi32>
    %mul3A_28 = arith.constant 100000 : i32
    %mul3A_29 = vector.broadcast %mul3A_28 : i32 to vector<16xi32>
    %mul3A_30 = arith.muli %add3A_27, %mul3A_29 : vector<16xi32>
    %get3A = arith.constant 0 : index
    %get3A_31 = tpu.vector_load %arg9[%get3A] {strides = array<i32>} : memref<32xi32, #tpu.memory_space<vmem>>, vector<16xi32>,
    %get3A_32 = vector.shape_cast %get3A_31 : vector<16xi32> to vector<16xi32>
    %add3A_33 = arith.addi %mul3A_30, %get3A_32 : vector<16xi32>
    %swap3A = arith.constant 0 : index
    %swap3A_34 = tpu.vector_load %arg10[%swap3A] {strides = array<i32>} : memref<32xi32, #tpu.memory_space<vmem>>, vector<16xi32>,
    %swap3A_35 = vector.shape_cast %swap3A_34 : vector<16xi32> to vector<16xi32>
    %swap3A_36 = vector.shape_cast %add3A_33 : vector<16xi32> to vector<16xi32>
    tpu.vector_store %arg10[%swap3A], %swap3A_36 {strides = array<i32>} : memref<32xi32, #tpu.memory_space<vmem>>, vector<16xi32>,
    %iota3A_37 = tpu.iota {dimensions = array<i32: 0>} : vector<16xi32>
    %add3A_38 = arith.constant 16 : i32
    %add3A_39 = arith.addi %mul3A_23, %add3A_38 : i32
    %add3A_40 = vector.broadcast %add3A_39 : i32 to vector<16xi32>
    %add3A_41 = arith.addi %iota3A_37, %add3A_40 : vector<16xi32>
    %mul3A_42 = arith.constant 100000 : i32
    %mul3A_43 = vector.broadcast %mul3A_42 : i32 to vector<16xi32>
    %mul3A_44 = arith.muli %add3A_41, %mul3A_43 : vector<16xi32>
    %get3A_45 = arith.constant 16 : index
    %get3A_46 = tpu.vector_load %arg9[%get3A_45] {strides = array<i32>} : memref<32xi32, #tpu.memory_space<vmem>>, vector<16xi32>,
    %get3A_47 = vector.shape_cast %get3A_46 : vector<16xi32> to vector<16xi32>
    %add3A_48 = arith.addi %mul3A_44, %get3A_47 : vector<16xi32>
    %swap3A_49 = arith.constant 16 : index
    %swap3A_50 = tpu.vector_load %arg10[%swap3A_49] {strides = array<i32>} : memref<32xi32, #tpu.memory_space<vmem>>, vector<16xi32>,
    %swap3A_51 = vector.shape_cast %swap3A_50 : vector<16xi32> to vector<16xi32>
    %swap3A_52 = vector.shape_cast %add3A_48 : vector<16xi32> to vector<16xi32>
    tpu.vector_store %arg10[%swap3A_49], %swap3A_52 {strides = array<i32>} : memref<32xi32, #tpu.memory_space<vmem>>, vector<16xi32>,
    %dma_start3A_53 = arith.constant 0 : i32
    %dma_start3A_54 = tpu.memref_slice %arg2[%dma_start3A_53] : memref<102400000xf32, #tpu.memory_space<hbm>> -> memref<102400000xf32, #tpu.memory_space<hbm>>
    tpu.enqueue_indirect_dma source(%dma_start3A_54 : memref<102400000xf32, #tpu.memory_space<hbm>>) target(%arg11 : memref<32xf32, #tpu.memory_space<vmem>>) offsets(%arg10 : memref<32xi32, #tpu.memory_space<vmem>>) semaphore(%arg20 : memref<!tpu.dma_semaphore, #tpu.memory_space<semaphore_mem>>)
    %dma_wait3A_55 = arith.constant 0 : i32
    %dma_wait3A_56 = tpu.memref_slice %arg2[%dma_wait3A_55] : memref<102400000xf32, #tpu.memory_space<hbm>> -> memref<102400000xf32, #tpu.memory_space<hbm>>
    tpu.wait_indirect_dma semaphore(%arg20 : memref<!tpu.dma_semaphore, #tpu.memory_space<semaphore_mem>>) src(%dma_wait3A_56 : memref<102400000xf32, #tpu.memory_space<hbm>>) dst(%arg11 : memref<32xf32, #tpu.memory_space<vmem>>)
    %get3A_57 = arith.constant 0 : index
    %get3A_58 = tpu.vector_load %arg11[%get3A_57] {strides = array<i32>} : memref<32xf32, #tpu.memory_space<vmem>>, vector<16xf32>,
    %get3A_59 = vector.shape_cast %get3A_58 : vector<16xf32> to vector<16xf32>
    %add3A_60 = arith.constant 1.000000e+00 : f32
    %add3A_61 = vector.broadcast %add3A_60 : f32 to vector<16xf32>
    %add3A_62 = arith.addf %add3A_61, %get3A_59 : vector<16xf32>
    %mul3A_63 = arith.constant 5.000000e-01 : f32
    %mul3A_64 = vector.broadcast %mul3A_63 : f32 to vector<16xf32>
    %mul3A_65 = arith.mulf %add3A_62, %mul3A_64 : vector<16xf32>
    %mul3A_66 = arith.constant 2.000000e+00 : f32
    %mul3A_67 = vector.broadcast %mul3A_66 : f32 to vector<16xf32>
    %mul3A_68 = arith.mulf %mul3A_67, %get3A_59 : vector<16xf32>
    %sub3A = arith.constant 1.000000e+00 : f32
    %sub3A_69 = vector.broadcast %sub3A : f32 to vector<16xf32>
    %sub3A_70 = arith.subf %mul3A_68, %sub3A_69 : vector<16xf32>
    %bitcast_convert_type3A = tpu.bitcast %mul3A_65 : vector<16xf32> -> vector<16xi32>
    %broadcast_in_dim3A = arith.constant 1597463007 : i32
    %broadcast_in_dim3A_71 = vector.broadcast %broadcast_in_dim3A : i32 to vector<16xi32>
    %shift_right_logical3A = arith.constant 1 : i32
    %shift_right_logical3A_72 = vector.broadcast %shift_right_logical3A : i32 to vector<16xi32>
    %shift_right_logical3A_73 = arith.shrui %bitcast_convert_type3A, %shift_right_logical3A_72 : vector<16xi32>
    %sub3A_74 = arith.subi %broadcast_in_dim3A_71, %shift_right_logical3A_73 : vector<16xi32>
    %bitcast_convert_type3A_75 = tpu.bitcast %sub3A_74 : vector<16xi32> -> vector<16xf32>
    %mul3A_76 = arith.constant 5.000000e-01 : f32
    %mul3A_77 = vector.broadcast %mul3A_76 : f32 to vector<16xf32>
    %mul3A_78 = arith.mulf %mul3A_77, %mul3A_65 : vector<16xf32>
    %mul3A_79 = arith.mulf %mul3A_78, %bitcast_convert_type3A_75 : vector<16xf32>
    %mul3A_80 = arith.mulf %mul3A_79, %bitcast_convert_type3A_75 : vector<16xf32>
    %sub3A_81 = arith.constant 1.500000e+00 : f32
    %sub3A_82 = vector.broadcast %sub3A_81 : f32 to vector<16xf32>
    %sub3A_83 = arith.subf %sub3A_82, %mul3A_80 : vector<16xf32>
    %mul3A_84 = arith.mulf %bitcast_convert_type3A_75, %sub3A_83 : vector<16xf32>
    %mul3A_85 = arith.constant 5.000000e-01 : f32
    %mul3A_86 = vector.broadcast %mul3A_85 : f32 to vector<16xf32>
    %mul3A_87 = arith.mulf %mul3A_86, %mul3A_65 : vector<16xf32>
    %mul3A_88 = arith.mulf %mul3A_87, %mul3A_84 : vector<16xf32>
    %mul3A_89 = arith.mulf %mul3A_88, %mul3A_84 : vector<16xf32>
    %sub3A_90 = arith.constant 1.500000e+00 : f32
    %sub3A_91 = vector.broadcast %sub3A_90 : f32 to vector<16xf32>
    %sub3A_92 = arith.subf %sub3A_91, %mul3A_89 : vector<16xf32>
    %mul3A_93 = arith.mulf %mul3A_84, %sub3A_92 : vector<16xf32>
    %mul3A_94 = arith.constant 5.000000e-01 : f32
    %mul3A_95 = vector.broadcast %mul3A_94 : f32 to vector<16xf32>
    %mul3A_96 = arith.mulf %mul3A_95, %mul3A_65 : vector<16xf32>
    %mul3A_97 = arith.mulf %mul3A_96, %mul3A_93 : vector<16xf32>
    %mul3A_98 = arith.mulf %mul3A_97, %mul3A_93 : vector<16xf32>
    %sub3A_99 = arith.constant 1.500000e+00 : f32
    %sub3A_100 = vector.broadcast %sub3A_99 : f32 to vector<16xf32>
    %sub3A_101 = arith.subf %sub3A_100, %mul3A_98 : vector<16xf32>
    %mul3A_102 = arith.mulf %mul3A_93, %sub3A_101 : vector<16xf32>
    %mul3A_103 = arith.constant 5.000000e-01 : f32
    %mul3A_104 = vector.broadcast %mul3A_103 : f32 to vector<16xf32>
    %mul3A_105 = arith.mulf %mul3A_104, %mul3A_65 : vector<16xf32>
    %mul3A_106 = arith.mulf %mul3A_105, %mul3A_102 : vector<16xf32>
    %mul3A_107 = arith.mulf %mul3A_106, %mul3A_102 : vector<16xf32>
    %sub3A_108 = arith.constant 1.500000e+00 : f32
    %sub3A_109 = vector.broadcast %sub3A_108 : f32 to vector<16xf32>
    %sub3A_110 = arith.subf %sub3A_109, %mul3A_107 : vector<16xf32>
    %mul3A_111 = arith.mulf %mul3A_102, %sub3A_110 : vector<16xf32>
    %mul3A_112 = arith.mulf %mul3A_65, %mul3A_111 : vector<16xf32>
    %mul3A_113 = arith.mulf %sub3A_70, %mul3A_112 : vector<16xf32>
    %lt3A = arith.constant -5.000000e-01 : f32
    %lt3A_114 = vector.broadcast %lt3A : f32 to vector<16xf32>
    %lt3A_115 = arith.cmpf olt, %get3A_59, %lt3A_114 : vector<16xf32>
    %neg3A = arith.constant 0.000000e+00 : f32
    %neg3A_116 = vector.broadcast %neg3A : f32 to vector<16xf32>
    %neg3A_117 = arith.subf %neg3A_116, %mul3A_113 : vector<16xf32>
    %sub3A_118 = arith.constant 2.000000e+00 : f32
    %sub3A_119 = vector.broadcast %sub3A_118 : f32 to vector<16xf32>
    %sub3A_120 = arith.subf %neg3A_117, %sub3A_119 : vector<16xf32>
    %select_n3A = arith.select %lt3A_115, %sub3A_120, %mul3A_113 : vector<16xi1>, vector<16xf32>
    %mul3A_121 = arith.constant 3.000000e+01 : f32
    %mul3A_122 = vector.broadcast %mul3A_121 : f32 to vector<16xf32>
    %mul3A_123 = arith.mulf %mul3A_122, %select_n3A : vector<16xf32>
    %swap3A_124 = arith.constant 0 : index
    %swap3A_125 = tpu.vector_load %arg11[%swap3A_124] {strides = array<i32>} : memref<32xf32, #tpu.memory_space<vmem>>, vector<16xf32>,
    %swap3A_126 = vector.shape_cast %swap3A_125 : vector<16xf32> to vector<16xf32>
    %swap3A_127 = vector.shape_cast %mul3A_123 : vector<16xf32> to vector<16xf32>
    tpu.vector_store %arg11[%swap3A_124], %swap3A_127 {strides = array<i32>} : memref<32xf32, #tpu.memory_space<vmem>>, vector<16xf32>,
    %get3A_128 = arith.constant 16 : index
    %get3A_129 = tpu.vector_load %arg11[%get3A_128] {strides = array<i32>} : memref<32xf32, #tpu.memory_space<vmem>>, vector<16xf32>,
    %get3A_130 = vector.shape_cast %get3A_129 : vector<16xf32> to vector<16xf32>
    %add3A_131 = arith.constant 1.000000e+00 : f32
    %add3A_132 = vector.broadcast %add3A_131 : f32 to vector<16xf32>
    %add3A_133 = arith.addf %add3A_132, %get3A_130 : vector<16xf32>
    %mul3A_134 = arith.constant 5.000000e-01 : f32
    %mul3A_135 = vector.broadcast %mul3A_134 : f32 to vector<16xf32>
    %mul3A_136 = arith.mulf %add3A_133, %mul3A_135 : vector<16xf32>
    %mul3A_137 = arith.constant 2.000000e+00 : f32
    %mul3A_138 = vector.broadcast %mul3A_137 : f32 to vector<16xf32>
    %mul3A_139 = arith.mulf %mul3A_138, %get3A_130 : vector<16xf32>
    %sub3A_140 = arith.constant 1.000000e+00 : f32
    %sub3A_141 = vector.broadcast %sub3A_140 : f32 to vector<16xf32>
    %sub3A_142 = arith.subf %mul3A_139, %sub3A_141 : vector<16xf32>
    %bitcast_convert_type3A_143 = tpu.bitcast %mul3A_136 : vector<16xf32> -> vector<16xi32>
    %broadcast_in_dim3A_144 = arith.constant 1597463007 : i32
    %broadcast_in_dim3A_145 = vector.broadcast %broadcast_in_dim3A_144 : i32 to vector<16xi32>
    %shift_right_logical3A_146 = arith.constant 1 : i32
    %shift_right_logical3A_147 = vector.broadcast %shift_right_logical3A_146 : i32 to vector<16xi32>
    %shift_right_logical3A_148 = arith.shrui %bitcast_convert_type3A_143, %shift_right_logical3A_147 : vector<16xi32>
    %sub3A_149 = arith.subi %broadcast_in_dim3A_145, %shift_right_logical3A_148 : vector<16xi32>
    %bitcast_convert_type3A_150 = tpu.bitcast %sub3A_149 : vector<16xi32> -> vector<16xf32>
    %mul3A_151 = arith.constant 5.000000e-01 : f32
    %mul3A_152 = vector.broadcast %mul3A_151 : f32 to vector<16xf32>
    %mul3A_153 = arith.mulf %mul3A_152, %mul3A_136 : vector<16xf32>
    %mul3A_154 = arith.mulf %mul3A_153, %bitcast_convert_type3A_150 : vector<16xf32>
    %mul3A_155 = arith.mulf %mul3A_154, %bitcast_convert_type3A_150 : vector<16xf32>
    %sub3A_156 = arith.constant 1.500000e+00 : f32
    %sub3A_157 = vector.broadcast %sub3A_156 : f32 to vector<16xf32>
    %sub3A_158 = arith.subf %sub3A_157, %mul3A_155 : vector<16xf32>
    %mul3A_159 = arith.mulf %bitcast_convert_type3A_150, %sub3A_158 : vector<16xf32>
    %mul3A_160 = arith.constant 5.000000e-01 : f32
    %mul3A_161 = vector.broadcast %mul3A_160 : f32 to vector<16xf32>
    %mul3A_162 = arith.mulf %mul3A_161, %mul3A_136 : vector<16xf32>
    %mul3A_163 = arith.mulf %mul3A_162, %mul3A_159 : vector<16xf32>
    %mul3A_164 = arith.mulf %mul3A_163, %mul3A_159 : vector<16xf32>
    %sub3A_165 = arith.constant 1.500000e+00 : f32
    %sub3A_166 = vector.broadcast %sub3A_165 : f32 to vector<16xf32>
    %sub3A_167 = arith.subf %sub3A_166, %mul3A_164 : vector<16xf32>
    %mul3A_168 = arith.mulf %mul3A_159, %sub3A_167 : vector<16xf32>
    %mul3A_169 = arith.constant 5.000000e-01 : f32
    %mul3A_170 = vector.broadcast %mul3A_169 : f32 to vector<16xf32>
    %mul3A_171 = arith.mulf %mul3A_170, %mul3A_136 : vector<16xf32>
    %mul3A_172 = arith.mulf %mul3A_171, %mul3A_168 : vector<16xf32>
    %mul3A_173 = arith.mulf %mul3A_172, %mul3A_168 : vector<16xf32>
    %sub3A_174 = arith.constant 1.500000e+00 : f32
    %sub3A_175 = vector.broadcast %sub3A_174 : f32 to vector<16xf32>
    %sub3A_176 = arith.subf %sub3A_175, %mul3A_173 : vector<16xf32>
    %mul3A_177 = arith.mulf %mul3A_168, %sub3A_176 : vector<16xf32>
    %mul3A_178 = arith.constant 5.000000e-01 : f32
    %mul3A_179 = vector.broadcast %mul3A_178 : f32 to vector<16xf32>
    %mul3A_180 = arith.mulf %mul3A_179, %mul3A_136 : vector<16xf32>
    %mul3A_181 = arith.mulf %mul3A_180, %mul3A_177 : vector<16xf32>
    %mul3A_182 = arith.mulf %mul3A_181, %mul3A_177 : vector<16xf32>
    %sub3A_183 = arith.constant 1.500000e+00 : f32
    %sub3A_184 = vector.broadcast %sub3A_183 : f32 to vector<16xf32>
    %sub3A_185 = arith.subf %sub3A_184, %mul3A_182 : vector<16xf32>
    %mul3A_186 = arith.mulf %mul3A_177, %sub3A_185 : vector<16xf32>
    %mul3A_187 = arith.mulf %mul3A_136, %mul3A_186 : vector<16xf32>
    %mul3A_188 = arith.mulf %sub3A_142, %mul3A_187 : vector<16xf32>
    %lt3A_189 = arith.constant -5.000000e-01 : f32
    %lt3A_190 = vector.broadcast %lt3A_189 : f32 to vector<16xf32>
    %lt3A_191 = arith.cmpf olt, %get3A_130, %lt3A_190 : vector<16xf32>
    %neg3A_192 = arith.constant 0.000000e+00 : f32
    %neg3A_193 = vector.broadcast %neg3A_192 : f32 to vector<16xf32>
    %neg3A_194 = arith.subf %neg3A_193, %mul3A_188 : vector<16xf32>
    %sub3A_195 = arith.constant 2.000000e+00 : f32
    %sub3A_196 = vector.broadcast %sub3A_195 : f32 to vector<16xf32>
    %sub3A_197 = arith.subf %neg3A_194, %sub3A_196 : vector<16xf32>
    %select_n3A_198 = arith.select %lt3A_191, %sub3A_197, %mul3A_188 : vector<16xi1>, vector<16xf32>
    %mul3A_199 = arith.constant 3.000000e+01 : f32
    %mul3A_200 = vector.broadcast %mul3A_199 : f32 to vector<16xf32>
    %mul3A_201 = arith.mulf %mul3A_200, %select_n3A_198 : vector<16xf32>
    %swap3A_202 = arith.constant 16 : index
    %swap3A_203 = tpu.vector_load %arg11[%swap3A_202] {strides = array<i32>} : memref<32xf32, #tpu.memory_space<vmem>>, vector<16xf32>,
    %swap3A_204 = vector.shape_cast %swap3A_203 : vector<16xf32> to vector<16xf32>
    %swap3A_205 = vector.shape_cast %mul3A_201 : vector<16xf32> to vector<16xf32>
    tpu.vector_store %arg11[%swap3A_202], %swap3A_205 {strides = array<i32>} : memref<32xf32, #tpu.memory_space<vmem>>, vector<16xf32>,
    %dma_start3A_206 = arith.constant 0 : i32
    %dma_start3A_207 = tpu.memref_slice %arg4[%dma_start3A_206] : memref<102400000xf32, #tpu.memory_space<hbm>> -> memref<102400000xf32, #tpu.memory_space<hbm>>
    tpu.enqueue_indirect_dma source(%arg11 : memref<32xf32, #tpu.memory_space<vmem>>) target(%dma_start3A_207 : memref<102400000xf32, #tpu.memory_space<hbm>>) offsets(%arg10 : memref<32xi32, #tpu.memory_space<vmem>>) semaphore(%arg20 : memref<!tpu.dma_semaphore, #tpu.memory_space<semaphore_mem>>)
    %dma_wait3A_208 = arith.constant 0 : i32
    %dma_wait3A_209 = tpu.memref_slice %arg4[%dma_wait3A_208] : memref<102400000xf32, #tpu.memory_space<hbm>> -> memref<102400000xf32, #tpu.memory_space<hbm>>
    tpu.wait_indirect_dma semaphore(%arg20 : memref<!tpu.dma_semaphore, #tpu.memory_space<semaphore_mem>>) src(%arg11 : memref<32xf32, #tpu.memory_space<vmem>>) dst(%dma_wait3A_209 : memref<102400000xf32, #tpu.memory_space<hbm>>)
    return
  }
}

</mosaic_0001>

<sc_bundles>
// kernel: kernel.3.cloned.1.call-start
scs
__scs_entry_jumppad:
0x0: {  	(pc) =	sbr.rel $0x88, $3  }
0x1: {  	(tag) =	ssettag $0x0;
	lr =	simm.s32 $0x1  }
0x2: {  	[smem:$0x3F9F] =	sst lr;
	_ =	strace $0xD0000000  }
0x3: {  	_ = 	snop  }
0x4: {  	_ = 	snop  }
0x5: {  	_ = 	snop  }
0x6: {  	_ = 	snop  }
0x7: {  	_ = 	snop  }
__scs_overlays_trampoline_lowered:
0x8: {  	[smem:$0x3FAE] =	sst s0  }
0x9: {  	[smem:$0x3FAF] =	sst s1  }
0xa: {  	[smem:$0x3FB0] =	sst s2  }
0xb: {  	[smem:$0x3FB1] =	sst s3  }
0xc: {  	[smem:$0x3FB2] =	sst s4  }
0xd: {  	[smem:$0x3FB3] =	sst s5  }
0xe: {  	[smem:$0x3FB4] =	sst s6  }
0xf: {  	[smem:$0x3FB5] =	sst s7  }
0x10: {  	[smem:$0x3FB6] =	sst s8  }
0x11: {  	[smem:$0x3FB7] =	sst s9;
	s0 =	simm.s32 @!p0 $0x0  }
0x12: {  	s1 =	sld [smem:$0x3F9D];
	s0 =	simm.s32 @p0 $0x1  }
0x13: {  	[smem:$0x3FB8] =	sst s0;
	s0 =	simm.s32 @!p1 $0x0  }
0x14: {  	s2 =	sld [smem:$0x3F9C];
	s0 =	simm.s32 @p1 $0x1  }
0x15: {  	[smem:$0x3FB9] =	sst s0;
	s0 =	simm.s32 @!p2 $0x0  }
0x16: {  	s3 =	sld [smem:$0x3FDB];
	s0 =	simm.s32 @p2 $0x1  }
0x17: {  	s4 =	simm.s32 $0x1BF5;
	[smem:$0x3FBB] =	sst s0  }
0x18: {  	s0 =	sld [smem:$0x3F9E];
	_ =	swait.ge [sflag:s4], $0x0  }
0x19: {  	s7 =	sld [smem:$0x3F9F]  }
0x1a: {  	s8 =	sadd.s32 $0xFFFFE003, lr  }
0x1b: {  	s9 =	sadd.s32 $0xFFFFFEF7, lr;
	s5 =	simm.s32 $0xFFFFFFFF;
	p2 =	slt.u32 s8, $0xFFFFF086  }
0x1c: {  	p1 =	slt.u32 s9, $0xF7A;
	s5 =	simm.s32 @!p2 $0x0  }
0x1d: {  	s5 =	simm.s32 @p1 $0x1;
	p0 =	seq.s32 s7, s2  }
0x1e: {  	s7 =	smul.u32 @!p0 $0xF7A, s2;
	p2 =	seq.s32 @!p0 s5, $0x0  }
0x1f: {  	s9 =	smul.u32 $0xF7A, s1;
	s8 =	simm.s32 @!p0 $0x1BF5;
	p2 =	por !p2, p0  }
0x20: {  	[sflag:s8] =	ssyncset.s32 @!p0 $0xFFFFF086;
	s6 =	sadd.s32 @!p0 s3, s7;
	s7 =	simm.s32 @!p0 $0x108  }
0x21: {  	s3 =	sadd.s32 s3, s9;
	s6 =	sadd.s32 @!p0 $0x88, s6;
	s7 =	simm.s32 @p2 $0x1082  }
0x22: {  	[simem:s7], [sflag:s8] =	dma.local @!p0 [hbm:s6], $0xF7A  }
0x23: {  	s9 =	sor.u32 $0xD0000000, s2;
	s6 =	simm.s32 $0x108;
	_ =	swait.ge @!p0 [sflag:s8], $0x0  }
0x24: {  	s3 =	sadd.s32 $0x88, s3;
	s6 =	simm.s32 @!p1 $0x1082;
	[sflag:s4] =	ssyncset.s32 $0xFFFFF086  }
0x25: {  	[simem:s6], [sflag:s4] =	dma.local [hbm:s3], $0xF7A  }
0x26: {  	[smem:$0x3F9F] =	sst s1;
	(tag) =	ssettag s2;
	_ =	strace s9  }
0x27: {  	s1 =	sld [smem:$0x3FAF]  }
0x28: {  	s2 =	sld [smem:$0x3FB0]  }
0x29: {  	s4 =	sld [smem:$0x3FB2]  }
0x2a: {  	p0 =	seq.s32 s5, $0x0;
	s5 =	sld [smem:$0x3FB3]  }
0x2b: {  	s6 =	sld [smem:$0x3FB4]  }
0x2c: {  	s7 =	sld [smem:$0x3FB5]  }
0x2d: {  	s3 =	simm.s32 $0x108;
	s8 =	sld [smem:$0x3FB6]  }
0x2e: {  	s3 =	simm.s32 @!p0 $0x1082;
	s9 =	sld [smem:$0x3FB7]  }
0x2f: {  	lr =	sadd.s32 s0, s3;
	s0 =	sld [smem:$0x3FAE]  }
0x30: {  	s3 =	sld [smem:$0x3FB1]  }
0x31: {  	[smem:$0x3FBA] =	sst s10  }
0x32: {  	s10 =	sld [smem:$0x3FB8];
	_ =	sdelay $0x3  }
0x33: {  	p0 =	seq.s32 s10, $0x1;
	s10 =	sld [smem:$0x3FBA];
	_ =	sdelay $0x3  }
0x34: {  	[smem:$0x3FBA] =	sst s10  }
0x35: {  	s10 =	sld [smem:$0x3FB9];
	_ =	sdelay $0x3  }
0x36: {  	p1 =	seq.s32 s10, $0x1;
	s10 =	sld [smem:$0x3FBA];
	_ =	sdelay $0x3  }
0x37: {  	[smem:$0x3FBA] =	sst s10  }
0x38: {  	s10 =	sld [smem:$0x3FBB]  }
0x39: {  	_ = 	snop;
	(pc) =	sbr.ind lr, $3  }
0x3a: {  	_ = 	snop  }
0x3b: {  	_ = 	snop  }
0x3c: {  	p2 =	seq.s32 s10, $0x1;
	s10 =	sld [smem:$0x3FBA]  }
0x3d: {  	_ =	shalt  }
0x3e: {  	_ =	shalt  }
0x3f: {  	_ =	shalt  }
0x40: {  	_ =	shalt  }
0x41: {  	_ =	shalt  }
0x42: {  	_ =	shalt  }
0x43: {  	_ =	shalt  }
0x44: {  	_ =	shalt  }
0x45: {  	_ =	shalt  }
0x46: {  	_ =	shalt  }
0x47: {  	_ =	shalt  }
0x48: {  	_ =	shalt  }
0x49: {  	_ =	shalt  }
0x4a: {  	_ =	shalt  }
0x4b: {  	_ =	shalt  }
0x4c: {  	_ =	shalt  }
0x4d: {  	_ =	shalt  }
0x4e: {  	_ =	shalt  }
0x4f: {  	_ =	shalt  }
0x50: {  	_ =	shalt  }
0x51: {  	_ =	shalt  }
0x52: {  	_ =	shalt  }
0x53: {  	_ =	shalt  }
0x54: {  	_ =	shalt  }
0x55: {  	_ =	shalt  }
0x56: {  	_ =	shalt  }
0x57: {  	_ =	shalt  }
0x58: {  	_ =	shalt  }
0x59: {  	_ =	shalt  }
0x5a: {  	_ =	shalt  }
0x5b: {  	_ =	shalt  }
0x5c: {  	_ =	shalt  }
0x5d: {  	_ =	shalt  }
0x5e: {  	_ =	shalt  }
0x5f: {  	_ =	shalt  }
0x60: {  	_ =	shalt  }
0x61: {  	_ =	shalt  }
0x62: {  	_ =	shalt  }
0x63: {  	_ =	shalt  }
0x64: {  	_ =	shalt  }
0x65: {  	_ =	shalt  }
0x66: {  	_ =	shalt  }
0x67: {  	_ =	shalt  }
0x68: {  	_ =	shalt  }
0x69: {  	_ =	shalt  }
0x6a: {  	_ =	shalt  }
0x6b: {  	_ =	shalt  }
0x6c: {  	_ =	shalt  }
0x6d: {  	_ =	shalt  }
0x6e: {  	_ =	shalt  }
0x6f: {  	_ =	shalt  }
0x70: {  	_ =	shalt  }
0x71: {  	_ =	shalt  }
0x72: {  	_ =	shalt  }
0x73: {  	_ =	shalt  }
0x74: {  	_ =	shalt  }
0x75: {  	_ =	shalt  }
0x76: {  	_ =	shalt  }
0x77: {  	_ =	shalt  }
0x78: {  	_ =	shalt  }
0x79: {  	_ =	shalt  }
0x7a: {  	_ =	shalt  }
0x7b: {  	_ =	shalt  }
0x7c: {  	_ =	shalt  }
0x7d: {  	_ =	shalt  }
0x7e: {  	_ =	shalt  }
0x7f: {  	_ =	shalt  }
0x80: {  	_ =	shalt  }
0x81: {  	_ =	shalt  }
0x82: {  	_ =	shalt  }
0x83: {  	_ =	shalt  }
0x84: {  	_ =	shalt  }
0x85: {  	_ =	shalt  }
0x86: {  	_ =	shalt  }
0x87: {  	_ =	shalt  }
.Lfunc_end0:
.L_simem_size_0:
called_computation.1_lowered:
.L_overlay_start_0:
0x88: {  	s2 =	sld [smem:$0x3FD9]  }
0x89: {  	s3 =	sld [smem:$0x3FFE];
	_ =	sdelay $0x1  }
0x8a: {  	s1 =	srdreg.scid  }
0x8b: {  	s0 =	sand.u32 $0x1, s1  }
0x8c: {  	s17 =	sshll.u32 s0, $0xA;
	s2 =	sadd.s32 s3, s2  }
0x8d: {  	s2 =	sadd.s32 s2, s17  }
0x8e: {  	[smem:$0x3FC6] =	sst s2  }
0x8f: {  	_ = 	snop  }
0x90: {  	s2 =	sld [smem:$0x3FC8]  }
0x91: {  	s18 =	sld [smem:$0x3FD0];
	(tm) =	ssettm $0x1  }
0x92: {  	s4 =	sld [smem:$0x3FFB];
	_ =	sdelay $0x3  }
0x93: {  	_ =	strace s4  }
0x94: {  	s4 =	sld [smem:$0x3FFC];
	_ =	sdelay $0x3  }
0x95: {  	_ =	strace s4  }
0x96: {  	s4 =	sld [smem:$0x3FFD];
	_ =	sdelay $0x3  }
0x97: {  	_ =	strace s4  }
0x98: {  	_ =	strace $0x8FFFFFFF  }
0x99: {  	s19 =	sld [smem:$0x3FDB];
	_ =	sdelay $0x1  }
0x9a: {  	s5 =	simm.s32 $_scs_section_size  }
0x9b: {  	s6 =	simm.s32 $_size__tile_overlayer_lowered;
	s7 =	simm.s32 $_tile_overlayer_lowered  }
0x9c: {  	s22 =	simm.s32 $0x1BFF;
	s21 =	sshll.u32 s7, $0x1;
	s4 =	sadd.s32 s5, s19  }
0x9d: {  	s8 =	simm.s32 $0x0;
	s20 =	sshll.u32 s6, $0x1;
	s6 =	sadd.s32 s21, s4  }
0x9e: {  	[timem:s8], [sflag:s22] =	dma.local [hbm:s6], s20  }
0x9f: {  	_ =	swait.ge [sflag:s22], s20  }
0xa0: {  	s5 =	ssub.s32 $0x0, s20;
	[sflag:s22] =	ssyncset.done $0x0  }
0xa1: {  	[sflag:s22] =	ssyncadd.s32 s5;
	_ =	sdelay $0x1  }
0xa2: {  	s23 =	simm.s32 $0x1B8B  }
0xa3: {  	_ =	swait.ge [sflag:s23], $0x1  }
0xa4: {  	[sflag:s23] =	ssyncset.done $0x0  }
0xa5: {  	s25 =	simm.s32 $0x1B8E;
	s24 =	sld [smem:$0x3FFE];
	[sflag:s23] =	ssyncadd.s32 $0xFFFFFFFF  }
0xa6: {  	s26 =	simm.s32 $execute0_lowered;
	[smem:$0x3FD2] =	sst s25  }
0xa7: {  	s6 =	sshll.u32 s26, $0x1;
	_ =	strace $0x80000046;
	[dreg:$0x1] =	wrdreg $0xFFFFFFFF  }
0xa8: {  	s28 =	simm.s32 $_size_execute0_lowered;
	s4 =	sadd.s32 s4, s6;
	[dreg:$0x0] =	wrdreg $0x0  }
0xa9: {  	s6 =	sshll.u32 s28, $0x1;
	[dreg:$0x2] =	wrdreg s4  }
0xaa: {  	[dreg:$0x3] =	wrdreg s6  }
0xab: {  	[dreg:$0x4] =	wrdreg $0xC0  }
0xac: {  	_ =	task [dreg:s8], $0x5FFFF  }
0xad: {  	[dreg:$0x1] =	wrdreg $0xFFFFFFFF  }
0xae: {  	[dreg:$0x0] =	wrdreg $0x60  }
0xaf: {  	[dreg:$0x2] =	wrdreg s18  }
0xb0: {  	[dreg:$0x3] =	wrdreg s2  }
0xb1: {  	[dreg:$0x4] =	wrdreg s24  }
0xb2: {  	[dreg:$0x5] =	wrdreg $0x9  }
0xb3: {  	_ =	task.clear_ibuf [dreg:s8], $0x6FFFF;
	_ =	strace $0x90000046  }
0xb4: {  	s29 =	simm.s32 $0x9;
	_ =	strace $0x80000048  }
0xb5: {  	_ =	swait.ge [sflag:s29], $0x1  }
0xb6: {  	[sflag:s29] =	ssyncadd.s32 $0xFFFFFFFF  }
0xb7: {  	_ =	strace $0x90000048  }
0xb8: {  	_ =	sfence  }
0xb9: {  	s30 =	sld [smem:$0x0];
	_ =	sdelay $0x2  }
0xba: {  	s31 =	sshll.u32 s1, $0xD;
	s1 =	sshrl.u32 s1, $0x2  }
0xbb: {  	s3 =	sand.u32 $0x4000, s31;
	s1 =	sadd.s32 s1, s30  }
0xbc: {  	s0 =	sor.u32 s3, s0;
	s1 =	sshll.u32 s1, $0x11  }
0xbd: {  	s0 =	sor.u32 s1, s0  }
0xbe: {  	s0 =	sadd.s32 $0x8F2B, s0  }
0xbf: {  	[sflag:s0] =	ssyncadd.remote.s32 $0x1  }
0xc0: {  	_ =	sfence.sel $0xFFFF  }
0xc1: {  	[dreg:$0x0] =	wrdreg $0xFFFFFFFF;
	(pc) =	sbr.abs _section_cstart, $3  }
0xc2: {  	[dreg:$0x1] =	wrdreg $0xFFFFFFFF  }
0xc3: {  	_ =	task.clear_ibuf [dreg:s8], $0x2FFFF;
	_ =	strace $0x9FFFFFFF  }
0xc4: {  	(tm) =	ssettm $0x7FFFFFFF  }
0xc5: {  	_ =	shalt  }
tec
execute0_lowered:
.L_overlay_start_1:
0x0: {  	(tag) =	ssettag $0x1  }
0x1: {  	s1 =	rddreg [dreg:$0x0]  }
0x2: {  	s0 =	rddreg [dreg:$0x1]  }
0x3: {  	s2 =	srdreg.scid;
	s3 =	stileid.u32  }
0x4: {  	s5 =	rddreg [dreg:$0x2];
	s15 =	simm.s32 $0x4E80;
	s16 =	simm.s32 $0x1  }
0x5: {  	s17 =	simm.s32 $0x9D00;
	s18 =	simm.s32 $0x2;
	s19 =	simm.s32 $0xEB80  }
0x6: {  	s20 =	simm.s32 $0x3;
	s21 =	simm.s32 $0x5;
	s22 =	simm.s32 $0x4  }
0x7: {  	s23 =	simm.s32 $0x6;
	s28 =	simm.s32 $0xA;
	s2 =	sand.u32 $0x1, s2  }
0x8: {  	s4 =	sshll.u32 s3, $0x1;
	s3 =	simm.s32 $0x0;
	s5 =	sadd.s32 $0x800, s5  }
0x9: {  	s7 =	sor.u32 s2, s4;
	[smem:$0x7FF] =	sst s3;
	s2 =	ssub.s32 $0x2, s2  }
0xa: {  	s4 =	smul.u32 $0x30D400, s7;
	_ =	strace $0x80000047;
	s30 =	sshll.u32 s7, $0x5  }
0xb: {  	s8 =	sshrl.u32 s2, $0x1;
	s7 =	sshll.u32 s7, $0x2;
	s31 =	sor.u32 $0x10, s30  }
0xc: {  	s2 =	ssub.s32 s2, s8;
	s0 =	sadd.s32 s0, s7;
	v0 =	vmov s30;
	s6 =	sadd.s32 $0x4E20, s4;
	v1 =	vmov s31  }
0xd: {  	s9 =	sshrl.u32 s4, $0x3;
	s11 =	sadd.s32 $0x13880, s4;
	s12 =	sadd.s32 $0x186A0, s4;
	v0 =	vmul.u32 $0x186A0, v0;
	v1 =	vmul.u32 $0x186A0, v1  }
0xe: {  	v2 =	vlaneseq.u32;
	[dreg:$0x6] =	wrdreg s0;
	s2 =	smax.u32 s2, $0x1;
	s0 =	simm.s32 $0x0  }
0xf: {  	v2 =	vmul.u32 $0x186A0, v2;
	s10 =	sshrl.u32 s6, $0x3;
	s26 =	sadd.s32 s1, s9;
	[dreg:$0x7] =	wrdreg s2;
	v0 =	vbroadcast v0, $0x0;
	v1 =	vbroadcast v1, $0x0  }
0x10: {  	s9 =	sadd.s32 $0x9C40, s4;
	[dreg:$0x4] =	wrdreg s26;
	s29 =	sadd.s32 s1, s10  }
0x11: {  	s2 =	simm.s32 $0x9;
	s10 =	sadd.s32 $0xEA60, s4;
	[dreg:$0x5] =	wrdreg s29;
	v0 =	vadd.s32 v2, v0;
	v1 =	vadd.s32 v2, v1  }
.LBB2_1:
0x12: {  	s7 =	rddreg [dreg:$0x4]  }
0x13: {  	[tilespmem:s3], [sflag:$0x1] =	stream.linear.gather [hbm4b:s7+s3], $0x4E20, $0x38;
	[tilespmem:$0x13B80] =	vst v63  }
0x14: {  	s31 =	rddreg [dreg:$0x5];
	s26 =	simm.s32 $0x0  }
0x15: {  	[tilespmem:s15], [sflag:$0x2] =	stream.linear.gather [hbm4b:s31+s3], $0x4E20, $0x38;
	[tilespmem:$0x13B80] =	vst v63  }
.LBB2_2:
0x16: {  	_ =	swait.ge [sflag:s16], $0x4E20  }
0x17: {  	s7 =	smul.u32 $0x13880, s26;
	p0 =	seq.s32 s26, $0x0;
	[sflag:s16] =	ssyncset.done $0x0  }
0x18: {  	s13 =	simm.s32 @!p0 $0x7;
	[sflag:s16] =	ssyncadd.s32 $0xFFFFB1E0  }
0x19: {  	s8 =	sadd.s32 s7, s9;
	_ =	swait.ge @!p0 [sflag:s13], $0x4E20  }
0x1a: {  	s8 =	sshrl.u32 s8, $0x3;
	[sflag:s13] =	ssyncset.done @!p0 $0x0  }
0x1b: {  	s14 =	simm.s32 $0x40;
	s25 =	sadd.s32 s1, s8;
	[sflag:s13] =	ssyncadd.s32 @!p0 $0xFFFFB1E0  }
0x1c: {  	[tilespmem:s17], [sflag:$0x3] =	stream.linear.gather [hbm4b:s25+s3], $0x4E20, $0x38;
	[tilespmem:$0x13B80] =	vst v63  }
0x1d: {  	v5 =	vld [tilespmem:s14+$0x30]  }
0x1e: {  	v6 =	vld [tilespmem:s14+$0xFFFFFFD0]  }
0x1f: {  	v8 =	vld [tilespmem:s14+$0xFFFFFFE0]  }
0x20: {  	v4 =	vld [tilespmem:s14+$0xFFFFFFF0]  }
0x21: {  	v3 =	vld [tilespmem:s14+$0x0]  }
0x22: {  	v2 =	vld [tilespmem:s14+$0x10];
	v9 =	vmul.f32 $3.000000000e+01, v5  }
0x23: {  	s31 =	simm.s32 $0x0;
	s24 =	simm.s32 $0xC0;
	v5 =	vld [tilespmem:s14+$0x20];
	v7 =	vmul.f32 $3.000000000e+01, v6  }
0x24: {  	s29 =	simm.s32 $0x4DF0;
	s30 =	simm.s32 $0x4E00;
	s13 =	sadd.s32 s4, s7;
	v6 =	vld [tilespmem:s14+$0xFFFFFFC0];
	v8 =	vmul.f32 $3.000000000e+01, v8;
	[tilespmem:s14+$0x30] =	vst v9  }
.LBB2_3:
0x25: {  	v9 =	vld [tilespmem:s24+$0x30];
	s31 =	sadd.s32 $0x80, s31;
	[tilespmem:s14+$0xFFFFFFD0] =	vst v7;
	v4 =	vmul.f32 $3.000000000e+01, v4  }
0x26: {  	v7 =	vld [tilespmem:s24+$0xFFFFFFD0];
	p1 =	slt.u32 s31, $0x4D80;
	[tilespmem:s14+$0xFFFFFFE0] =	vst v8;
	v3 =	vmul.f32 $3.000000000e+01, v3  }
0x27: {  	v8 =	vld [tilespmem:s24+$0xFFFFFFE0];
	[tilespmem:s14+$0xFFFFFFF0] =	vst v4;
	v2 =	vmul.f32 $3.000000000e+01, v2  }
.Ltmp0:
0x28: {  	v4 =	vld [tilespmem:s24+$0xFFFFFFF0];
	[tilespmem:s14+$0x0] =	vst v3;
	v5 =	vmul.f32 $3.000000000e+01, v5;
	(pc) =	sbr.rel @p1 .LBB2_3-.Ltmp0, $4  }
0x29: {  	v3 =	vld [tilespmem:s24+$0x0];
	v6 =	vmul.f32 $3.000000000e+01, v6;
	[tilespmem:s14+$0x10] =	vst v2  }
0x2a: {  	v2 =	vld [tilespmem:s24+$0x10];
	v9 =	vmul.f32 $3.000000000e+01, v9;
	[tilespmem:s14+$0x20] =	vst v5  }
0x2b: {  	v7 =	vmul.f32 $3.000000000e+01, v7;
	v5 =	vld [tilespmem:s24+$0x20];
	[tilespmem:s14+$0xFFFFFFC0] =	vst v6;
	s14 =	smov.u32 s24  }
0x2c: {  	s24 =	sadd.s32 $0x80, s24;
	v6 =	vld [tilespmem:s14+$0xFFFFFFC0];
	v8 =	vmul.f32 $3.000000000e+01, v8;
	[tilespmem:s14+$0x30] =	vst v9  }
0x2d: {  	[tilespmem:s14+$0xFFFFFFD0] =	vst v7;
	v4 =	vmul.f32 $3.000000000e+01, v4  }
0x2e: {  	[tilespmem:s14+$0xFFFFFFE0] =	vst v8;
	v3 =	vmul.f32 $3.000000000e+01, v3  }
0x2f: {  	[tilespmem:s14+$0xFFFFFFF0] =	vst v4;
	v2 =	vmul.f32 $3.000000000e+01, v2  }
0x30: {  	[tilespmem:s14+$0x0] =	vst v3;
	v3 =	vmul.f32 $3.000000000e+01, v5  }
0x31: {  	v63 =	vmul.f32 $3.000000000e+01, v6;
	[tilespmem:s14+$0x10] =	vst v2  }
0x32: {  	[tilespmem:s14+$0x20] =	vst v3  }
0x33: {  	[tilespmem:s14+$0xFFFFFFC0] =	vst v63  }
.LBB2_5:
0x34: {  	v2 =	vld [tilespmem:s30+$0x0]  }
0x35: {  	s29 =	sadd.s32 $0x10, s29  }
0x36: {  	p1 =	slt.u32 s29, $0x4E10  }
.Ltmp1:
0x37: {  	_ = 	snop;
	(pc) =	sbr.rel @p1 .LBB2_5-.Ltmp1, $3  }
0x38: {  	_ = 	snop  }
0x39: {  	v2 =	vmul.f32 $3.000000000e+01, v2;
	_ =	sdelay $0x1  }
0x3a: {  	[tilespmem:s30+$0x0] =	vst v2;
	s30 =	sadd.s32 $0x10, s30  }
0x3b: {  	s13 =	sshrl.u32 s13, $0x3  }
0x3c: {  	s13 =	sadd.s32 s5, s13  }
0x3d: {  	[hbm4b:s13+s3] =	stream.linear.scatter [tilespmem:s3], [sflag:$0x5], $0x4E20, $0x38;
	[tilespmem:$0x13B80] =	vst v63  }
0x3e: {  	_ =	swait.ge [sflag:s18], $0x4E20  }
0x3f: {  	[sflag:s18] =	ssyncset.done $0x0  }
0x40: {  	s14 =	simm.s32 @!p0 $0x8;
	[sflag:s18] =	ssyncadd.s32 $0xFFFFB1E0  }
0x41: {  	s24 =	sadd.s32 s7, s10;
	_ =	swait.ge @!p0 [sflag:s14], $0x4E20  }
0x42: {  	s13 =	sshrl.u32 s24, $0x3;
	[sflag:s14] =	ssyncset.done @!p0 $0x0  }
0x43: {  	s29 =	simm.s32 $0x4EC0;
	s25 =	sadd.s32 s1, s13;
	[sflag:s14] =	ssyncadd.s32 @!p0 $0xFFFFB1E0  }
0x44: {  	[tilespmem:s19], [sflag:$0x4] =	stream.linear.gather [hbm4b:s25+s3], $0x4E20, $0x38;
	[tilespmem:$0x13B80] =	vst v63  }
0x45: {  	v4 =	vld [tilespmem:s29+$0x30]  }
0x46: {  	v6 =	vld [tilespmem:s29+$0xFFFFFFD0]  }
0x47: {  	v8 =	vld [tilespmem:s29+$0xFFFFFFE0]  }
0x48: {  	v5 =	vld [tilespmem:s29+$0xFFFFFFF0]  }
0x49: {  	v3 =	vld [tilespmem:s29+$0x0]  }
0x4a: {  	v2 =	vld [tilespmem:s29+$0x10];
	v9 =	vmul.f32 $3.000000000e+01, v4  }
0x4b: {  	s31 =	simm.s32 $0x0;
	v4 =	vld [tilespmem:s29+$0x20];
	v7 =	vmul.f32 $3.000000000e+01, v6  }
0x4c: {  	s30 =	simm.s32 $0x9C80;
	s24 =	simm.s32 $0x4F40;
	s14 =	sadd.s32 s7, s6;
	v6 =	vld [tilespmem:s29+$0xFFFFFFC0];
	v8 =	vmul.f32 $3.000000000e+01, v8;
	[tilespmem:s29+$0x30] =	vst v9  }
.LBB2_7:
0x4d: {  	v9 =	vld [tilespmem:s24+$0x30];
	s31 =	sadd.s32 $0x80, s31;
	[tilespmem:s29+$0xFFFFFFD0] =	vst v7;
	v5 =	vmul.f32 $3.000000000e+01, v5  }
0x4e: {  	v7 =	vld [tilespmem:s24+$0xFFFFFFD0];
	p0 =	slt.u32 s31, $0x4D80;
	[tilespmem:s29+$0xFFFFFFE0] =	vst v8;
	v3 =	vmul.f32 $3.000000000e+01, v3  }
0x4f: {  	v8 =	vld [tilespmem:s24+$0xFFFFFFE0];
	[tilespmem:s29+$0xFFFFFFF0] =	vst v5;
	v2 =	vmul.f32 $3.000000000e+01, v2  }
.Ltmp2:
0x50: {  	v5 =	vld [tilespmem:s24+$0xFFFFFFF0];
	[tilespmem:s29+$0x0] =	vst v3;
	v4 =	vmul.f32 $3.000000000e+01, v4;
	(pc) =	sbr.rel @p0 .LBB2_7-.Ltmp2, $4  }
0x51: {  	v3 =	vld [tilespmem:s24+$0x0];
	v6 =	vmul.f32 $3.000000000e+01, v6;
	[tilespmem:s29+$0x10] =	vst v2  }
0x52: {  	v2 =	vld [tilespmem:s24+$0x10];
	v9 =	vmul.f32 $3.000000000e+01, v9;
	[tilespmem:s29+$0x20] =	vst v4  }
0x53: {  	v7 =	vmul.f32 $3.000000000e+01, v7;
	v4 =	vld [tilespmem:s24+$0x20];
	[tilespmem:s29+$0xFFFFFFC0] =	vst v6;
	s29 =	smov.u32 s24  }
0x54: {  	s25 =	simm.s32 $0x4DF0;
	s24 =	sadd.s32 $0x80, s24;
	v6 =	vld [tilespmem:s29+$0xFFFFFFC0];
	v8 =	vmul.f32 $3.000000000e+01, v8;
	[tilespmem:s29+$0x30] =	vst v9  }
0x55: {  	[tilespmem:s29+$0xFFFFFFD0] =	vst v7;
	v5 =	vmul.f32 $3.000000000e+01, v5  }
0x56: {  	[tilespmem:s29+$0xFFFFFFE0] =	vst v8;
	v3 =	vmul.f32 $3.000000000e+01, v3  }
0x57: {  	[tilespmem:s29+$0xFFFFFFF0] =	vst v5;
	v2 =	vmul.f32 $3.000000000e+01, v2  }
0x58: {  	[tilespmem:s29+$0x0] =	vst v3;
	v3 =	vmul.f32 $3.000000000e+01, v4  }
0x59: {  	v63 =	vmul.f32 $3.000000000e+01, v6;
	[tilespmem:s29+$0x10] =	vst v2  }
0x5a: {  	[tilespmem:s29+$0x20] =	vst v3  }
0x5b: {  	[tilespmem:s29+$0xFFFFFFC0] =	vst v63  }
.LBB2_9:
0x5c: {  	v2 =	vld [tilespmem:s30+$0x0]  }
0x5d: {  	s25 =	sadd.s32 $0x10, s25  }
0x5e: {  	p0 =	slt.u32 s25, $0x4E10  }
.Ltmp3:
0x5f: {  	_ = 	snop;
	(pc) =	sbr.rel @p0 .LBB2_9-.Ltmp3, $3  }
0x60: {  	_ = 	snop  }
0x61: {  	v2 =	vmul.f32 $3.000000000e+01, v2;
	_ =	sdelay $0x1  }
0x62: {  	[tilespmem:s30+$0x0] =	vst v2;
	s30 =	sadd.s32 $0x10, s30  }
0x63: {  	s14 =	sshrl.u32 s14, $0x3  }
0x64: {  	s14 =	sadd.s32 s5, s14  }
0x65: {  	[hbm4b:s14+s3] =	stream.linear.scatter [tilespmem:s15], [sflag:$0x6], $0x4E20, $0x38;
	[tilespmem:$0x13B80] =	vst v63  }
0x66: {  	_ =	swait.ge [sflag:s20], $0x4E20  }
0x67: {  	[sflag:s20] =	ssyncset.done $0x0  }
0x68: {  	p0 =	seq.s32 s26, $0x27;
	[sflag:s20] =	ssyncadd.s32 $0xFFFFB1E0  }
0x69: {  	s14 =	sadd.s32 @!p0 s7, s11;
	_ =	swait.ge [sflag:s21], $0x4E20  }
0x6a: {  	s14 =	sshrl.u32 @!p0 s14, $0x3;
	[sflag:s21] =	ssyncset.done $0x0  }
0x6b: {  	s24 =	simm.s32 @!p0 $0x0;
	s14 =	sadd.s32 @!p0 s1, s14;
	[sflag:s21] =	ssyncadd.s32 $0xFFFFB1E0  }
0x6c: {  	[tilespmem:s24], [sflag:$0x1] =	stream.linear.gather @!p0 [hbm4b:s14+s24], $0x4E20, $0x38;
	[tilespmem:$0x13B80] =	vst v63  }
0x6d: {  	s14 =	simm.s32 $0x9D40  }
0x6e: {  	v4 =	vld [tilespmem:s14+$0x30]  }
0x6f: {  	v6 =	vld [tilespmem:s14+$0xFFFFFFD0]  }
0x70: {  	v8 =	vld [tilespmem:s14+$0xFFFFFFE0]  }
0x71: {  	v5 =	vld [tilespmem:s14+$0xFFFFFFF0]  }
0x72: {  	v3 =	vld [tilespmem:s14+$0x0]  }
0x73: {  	v2 =	vld [tilespmem:s14+$0x10];
	v9 =	vmul.f32 $3.000000000e+01, v4  }
0x74: {  	v4 =	vld [tilespmem:s14+$0x20];
	v7 =	vmul.f32 $3.000000000e+01, v6  }
0x75: {  	s30 =	simm.s32 $0x0;
	s29 =	simm.s32 $0xEB00;
	s24 =	simm.s32 $0x9DC0;
	v6 =	vld [tilespmem:s14+$0xFFFFFFC0];
	v8 =	vmul.f32 $3.000000000e+01, v8;
	[tilespmem:s14+$0x30] =	vst v9  }
.LBB2_11:
0x76: {  	v9 =	vld [tilespmem:s24+$0x30];
	s30 =	sadd.s32 $0x80, s30;
	[tilespmem:s14+$0xFFFFFFD0] =	vst v7;
	v5 =	vmul.f32 $3.000000000e+01, v5  }
0x77: {  	v7 =	vld [tilespmem:s24+$0xFFFFFFD0];
	p1 =	slt.u32 s30, $0x4D80;
	[tilespmem:s14+$0xFFFFFFE0] =	vst v8;
	v3 =	vmul.f32 $3.000000000e+01, v3  }
0x78: {  	v8 =	vld [tilespmem:s24+$0xFFFFFFE0];
	[tilespmem:s14+$0xFFFFFFF0] =	vst v5;
	v2 =	vmul.f32 $3.000000000e+01, v2  }
.Ltmp4:
0x79: {  	v5 =	vld [tilespmem:s24+$0xFFFFFFF0];
	[tilespmem:s14+$0x0] =	vst v3;
	v4 =	vmul.f32 $3.000000000e+01, v4;
	(pc) =	sbr.rel @p1 .LBB2_11-.Ltmp4, $4  }
0x7a: {  	v3 =	vld [tilespmem:s24+$0x0];
	v6 =	vmul.f32 $3.000000000e+01, v6;
	[tilespmem:s14+$0x10] =	vst v2  }
0x7b: {  	v2 =	vld [tilespmem:s24+$0x10];
	v9 =	vmul.f32 $3.000000000e+01, v9;
	[tilespmem:s14+$0x20] =	vst v4  }
0x7c: {  	v7 =	vmul.f32 $3.000000000e+01, v7;
	v4 =	vld [tilespmem:s24+$0x20];
	[tilespmem:s14+$0xFFFFFFC0] =	vst v6;
	s14 =	smov.u32 s24  }
0x7d: {  	s25 =	simm.s32 $0x4DF0;
	s24 =	sadd.s32 $0x80, s24;
	v6 =	vld [tilespmem:s14+$0xFFFFFFC0];
	v8 =	vmul.f32 $3.000000000e+01, v8;
	[tilespmem:s14+$0x30] =	vst v9  }
0x7e: {  	[tilespmem:s14+$0xFFFFFFD0] =	vst v7;
	v5 =	vmul.f32 $3.000000000e+01, v5  }
0x7f: {  	[tilespmem:s14+$0xFFFFFFE0] =	vst v8;
	v3 =	vmul.f32 $3.000000000e+01, v3  }
0x80: {  	[tilespmem:s14+$0xFFFFFFF0] =	vst v5;
	v2 =	vmul.f32 $3.000000000e+01, v2  }
0x81: {  	[tilespmem:s14+$0x0] =	vst v3;
	v3 =	vmul.f32 $3.000000000e+01, v4  }
0x82: {  	v63 =	vmul.f32 $3.000000000e+01, v6;
	[tilespmem:s14+$0x10] =	vst v2  }
0x83: {  	[tilespmem:s14+$0x20] =	vst v3  }
0x84: {  	[tilespmem:s14+$0xFFFFFFC0] =	vst v63  }
.LBB2_13:
0x85: {  	v2 =	vld [tilespmem:s29+$0x0]  }
0x86: {  	s25 =	sadd.s32 $0x10, s25  }
0x87: {  	p1 =	slt.u32 s25, $0x4E10  }
.Ltmp5:
0x88: {  	_ = 	snop;
	(pc) =	sbr.rel @p1 .LBB2_13-.Ltmp5, $3  }
0x89: {  	_ = 	snop  }
0x8a: {  	v2 =	vmul.f32 $3.000000000e+01, v2;
	_ =	sdelay $0x1  }
0x8b: {  	[tilespmem:s29+$0x0] =	vst v2;
	s29 =	sadd.s32 $0x10, s29  }
0x8c: {  	s8 =	sadd.s32 s5, s8  }
0x8d: {  	[hbm4b:s8+s3] =	stream.linear.scatter [tilespmem:s17], [sflag:$0x7], $0x4E20, $0x38;
	[tilespmem:$0x13B80] =	vst v63  }
0x8e: {  	_ =	swait.ge [sflag:s22], $0x4E20  }
0x8f: {  	[sflag:s22] =	ssyncset.done $0x0  }
0x90: {  	[sflag:s22] =	ssyncadd.s32 $0xFFFFB1E0  }
0x91: {  	s7 =	sadd.s32 @!p0 s7, s12;
	_ =	swait.ge [sflag:s23], $0x4E20  }
0x92: {  	s14 =	simm.s32 @!p0 $0x4E80;
	s7 =	sshrl.u32 @!p0 s7, $0x3;
	[sflag:s23] =	ssyncset.done $0x0  }
0x93: {  	s8 =	simm.s32 @!p0 $0x0;
	s7 =	sadd.s32 @!p0 s1, s7;
	[sflag:s23] =	ssyncadd.s32 $0xFFFFB1E0  }
0x94: {  	[tilespmem:s14], [sflag:$0x2] =	stream.linear.gather @!p0 [hbm4b:s7+s8], $0x4E20, $0x38;
	[tilespmem:$0x13B80] =	vst v63  }
0x95: {  	s7 =	simm.s32 $0xEBC0  }
0x96: {  	v4 =	vld [tilespmem:s7+$0x30]  }
0x97: {  	v6 =	vld [tilespmem:s7+$0xFFFFFFD0]  }
0x98: {  	v8 =	vld [tilespmem:s7+$0xFFFFFFE0]  }
0x99: {  	v5 =	vld [tilespmem:s7+$0xFFFFFFF0]  }
0x9a: {  	v3 =	vld [tilespmem:s7+$0x0]  }
0x9b: {  	v2 =	vld [tilespmem:s7+$0x10];
	v9 =	vmul.f32 $3.000000000e+01, v4  }
0x9c: {  	v4 =	vld [tilespmem:s7+$0x20];
	v7 =	vmul.f32 $3.000000000e+01, v6  }
0x9d: {  	s24 =	simm.s32 $0xEC40;
	s14 =	simm.s32 $0x0;
	s8 =	simm.s32 $0x13980;
	v6 =	vld [tilespmem:s7+$0xFFFFFFC0];
	v8 =	vmul.f32 $3.000000000e+01, v8;
	[tilespmem:s7+$0x30] =	vst v9  }
.LBB2_15:
0x9e: {  	v9 =	vld [tilespmem:s24+$0x30];
	s14 =	sadd.s32 $0x80, s14;
	[tilespmem:s7+$0xFFFFFFD0] =	vst v7;
	v5 =	vmul.f32 $3.000000000e+01, v5  }
0x9f: {  	v7 =	vld [tilespmem:s24+$0xFFFFFFD0];
	p0 =	slt.u32 s14, $0x4D80;
	[tilespmem:s7+$0xFFFFFFE0] =	vst v8;
	v3 =	vmul.f32 $3.000000000e+01, v3  }
0xa0: {  	v8 =	vld [tilespmem:s24+$0xFFFFFFE0];
	[tilespmem:s7+$0xFFFFFFF0] =	vst v5;
	v2 =	vmul.f32 $3.000000000e+01, v2  }
.Ltmp6:
0xa1: {  	v5 =	vld [tilespmem:s24+$0xFFFFFFF0];
	[tilespmem:s7+$0x0] =	vst v3;
	v4 =	vmul.f32 $3.000000000e+01, v4;
	(pc) =	sbr.rel @p0 .LBB2_15-.Ltmp6, $4  }
0xa2: {  	v3 =	vld [tilespmem:s24+$0x0];
	v6 =	vmul.f32 $3.000000000e+01, v6;
	[tilespmem:s7+$0x10] =	vst v2  }
0xa3: {  	v2 =	vld [tilespmem:s24+$0x10];
	v9 =	vmul.f32 $3.000000000e+01, v9;
	[tilespmem:s7+$0x20] =	vst v4  }
0xa4: {  	v7 =	vmul.f32 $3.000000000e+01, v7;
	v4 =	vld [tilespmem:s24+$0x20];
	[tilespmem:s7+$0xFFFFFFC0] =	vst v6;
	s7 =	smov.u32 s24  }
0xa5: {  	s25 =	simm.s32 $0x4DF0;
	s24 =	sadd.s32 $0x80, s24;
	v6 =	vld [tilespmem:s7+$0xFFFFFFC0];
	v8 =	vmul.f32 $3.000000000e+01, v8;
	[tilespmem:s7+$0x30] =	vst v9  }
0xa6: {  	[tilespmem:s7+$0xFFFFFFD0] =	vst v7;
	v5 =	vmul.f32 $3.000000000e+01, v5  }
0xa7: {  	[tilespmem:s7+$0xFFFFFFE0] =	vst v8;
	v3 =	vmul.f32 $3.000000000e+01, v3  }
0xa8: {  	[tilespmem:s7+$0xFFFFFFF0] =	vst v5;
	v2 =	vmul.f32 $3.000000000e+01, v2  }
0xa9: {  	[tilespmem:s7+$0x0] =	vst v3;
	v3 =	vmul.f32 $3.000000000e+01, v4  }
0xaa: {  	v63 =	vmul.f32 $3.000000000e+01, v6;
	[tilespmem:s7+$0x10] =	vst v2  }
0xab: {  	[tilespmem:s7+$0x20] =	vst v3  }
0xac: {  	[tilespmem:s7+$0xFFFFFFC0] =	vst v63  }
.LBB2_17:
0xad: {  	v2 =	vld [tilespmem:s8+$0x0]  }
0xae: {  	s25 =	sadd.s32 $0x10, s25  }
0xaf: {  	p0 =	slt.u32 s25, $0x4E10  }
.Ltmp7:
0xb0: {  	_ = 	snop;
	(pc) =	sbr.rel @p0 .LBB2_17-.Ltmp7, $3  }
0xb1: {  	_ = 	snop  }
0xb2: {  	v2 =	vmul.f32 $3.000000000e+01, v2;
	_ =	sdelay $0x1  }
0xb3: {  	[tilespmem:s8+$0x0] =	vst v2;
	s8 =	sadd.s32 $0x10, s8  }
0xb4: {  	s26 =	sadd.s32 $0x1, s26  }
0xb5: {  	p0 =	sne.s32 s26, $0x28  }
.Ltmp8:
0xb6: {  	_ = 	snop;
	(pc) =	sbr.rel @p0 .LBB2_2-.Ltmp8, $3  }
0xb7: {  	_ =	sdelay $0x1  }
0xb8: {  	s7 =	sadd.s32 s5, s13  }
0xb9: {  	[hbm4b:s7+s3] =	stream.linear.scatter [tilespmem:s19], [sflag:$0x8], $0x4E20, $0x38;
	[tilespmem:$0x13B80] =	vst v63  }
0xba: {  	s7 =	simm.s32 $0x7  }
0xbb: {  	_ =	swait.ge [sflag:s7], $0x4E20  }
0xbc: {  	[sflag:s7] =	ssyncset.done $0x0  }
0xbd: {  	s25 =	simm.s32 $0x8;
	[sflag:s7] =	ssyncadd.s32 $0xFFFFB1E0  }
0xbe: {  	_ =	swait.ge [sflag:s25], $0x4E20  }
0xbf: {  	[sflag:s25] =	ssyncset.done $0x0  }
0xc0: {  	s8 =	simm.s32 $0x13A00;
	s26 =	rddreg [dreg:$0x6];
	[sflag:s25] =	ssyncadd.s32 $0xFFFFB1E0  }
0xc1: {  	[tilespmem:s8], [sflag:$0xA] =	stream.linear.gather [hbm4b:s26+s3], $0x20, $0x38;
	[tilespmem:$0x13B80] =	vst v63  }
0xc2: {  	_ =	swait.ge [sflag:s28], $0x20  }
0xc3: {  	[sflag:s28] =	ssyncset.done $0x0  }
0xc4: {  	[sflag:s28] =	ssyncadd.s32 $0xFFFFFFE0  }
0xc5: {  	v2 =	vld [tilespmem:$0x13A00]  }
0xc6: {  	v3 =	vld [tilespmem:$0x13A10];
	_ =	sdelay $0x3  }
0xc7: {  	v2 =	vadd.s32 v2, v0  }
0xc8: {  	[tilespmem:$0x13A80] =	vst v2;
	v2 =	vadd.s32 v3, v1  }
0xc9: {  	s29 =	simm.s32 $0x20;
	s30 =	simm.s32 $0x13A80;
	s13 =	simm.s32 $0x13B00;
	[tilespmem:$0x13A90] =	vst v2  }
0xca: {  	[tilespmem:s13], [sflag:$0x9] =	stream.indirect.gather [hbm4b:s1+s29], $0x1, s30, s29, $0xb8;
	[tilespmem:$0x13B80] =	vst v63  }
0xcb: {  	_ =	swait.ge [sflag:s2], $0x20  }
0xcc: {  	[sflag:s2] =	ssyncset.done $0x0  }
0xcd: {  	[sflag:s2] =	ssyncadd.s32 $0xFFFFFFE0  }
0xce: {  	v2 =	vld [tilespmem:$0x13B00]  }
0xcf: {  	v3 =	vld [tilespmem:$0x13B10];
	_ =	sdelay $0x3  }
0xd0: {  	v4 =	vadd.f32 $1.000000000e+00, v2  }
0xd1: {  	v5 =	vadd.f32 $1.000000000e+00, v3  }
0xd2: {  	v4 =	vmul.f32 $5.000000000e-01, v4  }
0xd3: {  	v5 =	vmul.f32 $5.000000000e-01, v5  }
0xd4: {  	v6 =	vshrl.u32 v4, $0x1;
	v7 =	vmul.f32 $5.000000000e-01, v4  }
0xd5: {  	v9 =	vshrl.u32 v5, $0x1;
	v10 =	vmul.f32 $5.000000000e-01, v5;
	v6 =	vsub.s32 $0x5F3759DF, v6  }
0xd6: {  	v9 =	vsub.s32 $0x5F3759DF, v9;
	v8 =	vmul.f32 v6, v7  }
0xd7: {  	v11 =	vmul.f32 v9, v10  }
0xd8: {  	v8 =	vmul.f32 v6, v8  }
0xd9: {  	v11 =	vmul.f32 v9, v11  }
0xda: {  	v8 =	vsub.f32 $1.500000000e+00, v8  }
0xdb: {  	v48 =	vsub.f32 $1.500000000e+00, v11  }
0xdc: {  	v6 =	vmul.f32 v6, v8  }
0xdd: {  	v8 =	vmul.f32 v9, v48  }
0xde: {  	v49 =	vmul.f32 v6, v7  }
0xdf: {  	v51 =	vmul.f32 v8, v10  }
0xe0: {  	v50 =	vmul.f32 v49, v6  }
0xe1: {  	v11 =	vmul.f32 v51, v8  }
0xe2: {  	v9 =	vsub.f32 $1.500000000e+00, v50  }
0xe3: {  	v52 =	vsub.f32 $1.500000000e+00, v11  }
0xe4: {  	v6 =	vmul.f32 v9, v6  }
0xe5: {  	v8 =	vmul.f32 v52, v8  }
0xe6: {  	v53 =	vmul.f32 v6, v7  }
0xe7: {  	v55 =	vmul.f32 v8, v10  }
0xe8: {  	v54 =	vmul.f32 v53, v6  }
0xe9: {  	v11 =	vmul.f32 v55, v8  }
0xea: {  	v9 =	vsub.f32 $1.500000000e+00, v54  }
0xeb: {  	v56 =	vsub.f32 $1.500000000e+00, v11  }
0xec: {  	v6 =	vmul.f32 v9, v6  }
0xed: {  	v8 =	vmul.f32 v56, v8  }
0xee: {  	v7 =	vmul.f32 v6, v7  }
0xef: {  	v9 =	vmul.f32 v8, v10  }
0xf0: {  	v7 =	vmul.f32 v7, v6  }
0xf1: {  	v9 =	vmul.f32 v9, v8  }
0xf2: {  	v7 =	vsub.f32 $1.500000000e+00, v7  }
0xf3: {  	v9 =	vsub.f32 $1.500000000e+00, v9  }
0xf4: {  	v57 =	vadd.f32 v2, v2;
	v6 =	vmul.f32 v7, v6  }
0xf5: {  	v60 =	vadd.f32 v3, v3;
	v59 =	vmul.f32 v9, v8  }
0xf6: {  	v58 =	vadd.f32 $-1.000000000e+00, v57;
	v4 =	vmul.f32 v6, v4  }
0xf7: {  	v61 =	vadd.f32 $-1.000000000e+00, v60;
	v5 =	vmul.f32 v59, v5  }
0xf8: {  	v4 =	vmul.f32 v4, v58  }
0xf9: {  	v5 =	vmul.f32 v5, v61  }
0xfa: {  	v62 =	vsub.f32 $0.0e+00, v4  }
0xfb: {  	vm0 =	vlt.f32 v2, $-5.000000000e-01;
	v2 =	vsub.f32 $-2.000000000e+00, v5  }
0xfc: {  	vm15 =	vlt.f32 v3, $-5.000000000e-01;
	v63 =	vadd.f32 $-2.000000000e+00, v62  }
0xfd: {  	v2 =	vsel vm15, v2, v5  }
0xfe: {  	v2 =	vmul.f32 $3.000000000e+01, v2;
	v4 =	vsel vm0, v63, v4  }
0xff: {  	v3 =	vmul.f32 $3.000000000e+01, v4  }
0x100: {  	[tilespmem:$0x13B10] =	vst v2  }
0x101: {  	[tilespmem:$0x13B00] =	vst v3  }
0x102: {  	[hbm4b:s5+s29] =	stream.indirect.scatter [tilespmem:s13], [sflag:$0x9], $0x1, s30, s29, $0xb8;
	[tilespmem:$0x13B80] =	vst v63  }
0x103: {  	_ =	swait.ge [sflag:s2], $0x20  }
0x104: {  	s0 =	sadd.s32 $0x1, s0;
	s31 =	rddreg [dreg:$0x7]  }
0x105: {  	p0 =	sne.s32 s0, s31  }
.Ltmp9:
0x106: {  	_ = 	snop;
	(pc) =	sbr.rel @p0 .LBB2_1-.Ltmp9, $3  }
0x107: {  	_ =	sdelay $0x1  }
0x108: {  	[sflag:s2] =	ssyncset.done $0x0  }
0x109: {  	[sflag:s2] =	ssyncadd.s32 $0xFFFFFFE0  }
0x10a: {  	_ =	sfence.sel $0x180000  }
0x10b: {  	[bflag:$0x0] =	sbarrier.arrive $0xFFFF  }
0x10c: {  	_ =	strace $0x90000047  }
0x10d: {  	s0 =	stileid.u32;
	[bflag:$0x2] =	sbarrier.arrive $0xFFFF  }
0x10e: {  	p0 =	sne.s32 s0, $0x0;
	s0 =	rddreg [dreg:$0x3]  }
0x10f: {  	s0 =	sadd.s32 @!p0 $0x100000, s0  }
0x110: {  	[sflag:s0] =	ssyncadd.tile.s32 @!p0 $0x1;
	_ =	shalt  }
.Lfunc_end2:
_tile_overlayer_lowered:
.L_overlay_start_2:
0x111: {  	(tag) =	ssettag $0x2  }
0x112: {  	s0 =	rddreg [dreg:$0x0];
	s2 =	stileid.u32  }
0x113: {  	s1 =	rddreg [dreg:$0x1];
	p0 =	sne.s32 s2, $0x0  }
0x114: {  	s3 =	rddreg [dreg:$0x2];
	[bflag:$0x3] =	sbarrier.arrive $0xFFFF;
	s2 =	simm.s32 @!p0 $0x1C0A  }
0x115: {  	[timem:s3], [sflag:s2] =	dma.local @!p0 [hbm:s0], s1  }
0x116: {  	s0 =	simm.s32 @!p0 $0xA  }
0x117: {  	_ =	swait.ge @!p0 [sflag:s0], s1  }
0x118: {  	s1 =	ssub.s32 @!p0 $0x0, s1;
	[sflag:s0] =	ssyncset.done @!p0 $0x0  }
0x119: {  	[sflag:s0] =	ssyncadd.s32 @!p0 s1  }
0x11a: {  	[bflag:$0x3] =	sbarrier.arrive $0xFFFF  }
0x11b: {  	_ =	shalt  }

// kernel: sparse-core-data-format-call.cloned.1.call-start
scs
called_computation_lowered:
.L_overlay_start_0:
0x0: {  	s2 =	sld [smem:$0x3FD9]  }
0x1: {  	s3 =	sld [smem:$0x3FFE];
	_ =	sdelay $0x1  }
0x2: {  	s1 =	srdreg.scid  }
0x3: {  	s0 =	sand.u32 $0x1, s1  }
0x4: {  	s18 =	sshll.u32 s0, $0xA;
	s2 =	sadd.s32 s3, s2  }
0x5: {  	s2 =	sadd.s32 s2, s18  }
0x6: {  	[smem:$0x3FC6] =	sst s2  }
0x7: {  	_ = 	snop  }
0x8: {  	s2 =	sld [smem:$0x3FD0];
	(tm) =	ssettm $0x1  }
0x9: {  	s19 =	sld [smem:$0x3FFB];
	_ =	sdelay $0x3  }
0xa: {  	_ =	strace s19  }
0xb: {  	s3 =	sld [smem:$0x3FFC];
	_ =	sdelay $0x3  }
0xc: {  	_ =	strace s3  }
0xd: {  	s3 =	sld [smem:$0x3FFD];
	_ =	sdelay $0x3  }
0xe: {  	_ =	strace s3  }
0xf: {  	_ =	strace $0x8FFFFFFF  }
0x10: {  	s20 =	sld [smem:$0x3FDB];
	_ =	sdelay $0x1  }
0x11: {  	s4 =	simm.s32 $_scs_section_size  }
0x12: {  	s5 =	simm.s32 $_size__tile_overlayer_lowered;
	s6 =	simm.s32 $_tile_overlayer_lowered  }
0x13: {  	s23 =	simm.s32 $0x1BFF;
	s22 =	sshll.u32 s6, $0x1;
	s3 =	sadd.s32 s4, s20  }
0x14: {  	s7 =	simm.s32 $0x0;
	s21 =	sshll.u32 s5, $0x1;
	s5 =	sadd.s32 s22, s3  }
0x15: {  	[timem:s7], [sflag:s23] =	dma.local [hbm:s5], s21  }
0x16: {  	_ =	swait.ge [sflag:s23], s21  }
0x17: {  	s4 =	ssub.s32 $0x0, s21;
	[sflag:s23] =	ssyncset.done $0x0  }
0x18: {  	[sflag:s23] =	ssyncadd.s32 s4;
	_ =	sdelay $0x1  }
0x19: {  	s24 =	simm.s32 $0x1B8B  }
0x1a: {  	_ =	swait.ge [sflag:s24], $0x1  }
0x1b: {  	[sflag:s24] =	ssyncset.done $0x0  }
0x1c: {  	s26 =	simm.s32 $0x1B8E;
	s25 =	sld [smem:$0x3FFE];
	[sflag:s24] =	ssyncadd.s32 $0xFFFFFFFF  }
0x1d: {  	s27 =	simm.s32 $execute0_lowered;
	[smem:$0x3FD2] =	sst s26  }
0x1e: {  	s5 =	sshll.u32 s27, $0x1;
	_ =	strace $0x80000049;
	[dreg:$0x1] =	wrdreg $0xFFFFFFFF  }
0x1f: {  	s28 =	simm.s32 $_size_execute0_lowered;
	s3 =	sadd.s32 s3, s5;
	[dreg:$0x0] =	wrdreg $0x0  }
0x20: {  	s5 =	sshll.u32 s28, $0x1;
	[dreg:$0x2] =	wrdreg s3  }
0x21: {  	[dreg:$0x3] =	wrdreg s5  }
0x22: {  	[dreg:$0x4] =	wrdreg $0xC0  }
0x23: {  	_ =	task [dreg:s7], $0x5FFFF  }
0x24: {  	[dreg:$0x1] =	wrdreg $0xFFFFFFFF  }
0x25: {  	[dreg:$0x0] =	wrdreg $0x60  }
0x26: {  	[dreg:$0x2] =	wrdreg s25  }
0x27: {  	[dreg:$0x3] =	wrdreg s2  }
0x28: {  	[dreg:$0x4] =	wrdreg $0x9  }
0x29: {  	_ =	task.clear_ibuf [dreg:s7], $0x5FFFF;
	_ =	strace $0x90000049  }
0x2a: {  	s29 =	simm.s32 $0x9;
	_ =	strace $0x8000004B  }
0x2b: {  	_ =	swait.ge [sflag:s29], $0x1  }
0x2c: {  	[sflag:s29] =	ssyncadd.s32 $0xFFFFFFFF  }
0x2d: {  	_ =	strace $0x9000004B  }
0x2e: {  	_ =	sfence  }
0x2f: {  	s30 =	sld [smem:$0x0];
	_ =	sdelay $0x2  }
0x30: {  	s31 =	sshll.u32 s1, $0xD;
	s1 =	sshrl.u32 s1, $0x2  }
0x31: {  	s3 =	sand.u32 $0x4000, s31;
	s1 =	sadd.s32 s1, s30  }
0x32: {  	s0 =	sor.u32 s3, s0;
	s1 =	sshll.u32 s1, $0x11  }
0x33: {  	s0 =	sor.u32 s1, s0  }
0x34: {  	s0 =	sadd.s32 $0x8F2B, s0  }
0x35: {  	[sflag:s0] =	ssyncadd.remote.s32 $0x1  }
0x36: {  	_ =	sfence.sel $0xFFFF  }
0x37: {  	[dreg:$0x0] =	wrdreg $0xFFFFFFFF;
	(pc) =	sbr.abs _section_cstart, $3  }
0x38: {  	[dreg:$0x1] =	wrdreg $0xFFFFFFFF  }
0x39: {  	_ =	task.clear_ibuf [dreg:s7], $0x2FFFF;
	_ =	strace $0x9FFFFFFF  }
0x3a: {  	(tm) =	ssettm $0x7FFFFFFF  }
0x3b: {  	_ =	shalt  }
tec
execute0_lowered:
.L_overlay_start_1:
0x0: {  	(tag) =	ssettag $0x1  }
0x1: {  	s0 =	stileid.u32  }
0x2: {  	s2 =	srdreg.scid;
	s7 =	rddreg [dreg:$0x0]  }
0x3: {  	s6 =	simm.s32 $0x1;
	s31 =	simm.s32 $0x2;
	s16 =	simm.s32 $0x0  }
0x4: {  	s9 =	simm.s32 $0x2000;
	s15 =	simm.s32 $0x0;
	s10 =	simm.s32 $0x0  }
0x5: {  	s11 =	simm.s32 $0x0;
	s14 =	simm.s32 $0x0;
	s1 =	sshll.u32 s0, $0x7  }
0x6: {  	s3 =	sshll.u32 s0, $0x4;
	s2 =	sshll.u32 s2, $0x8;
	s1 =	sand.u32 $0x380, s1  }
0x7: {  	s7 =	sadd.s32 $0xC35800, s7;
	s2 =	sor.u32 s3, s2;
	s5 =	ssub.s32 $0x400, s1  }
0x8: {  	s3 =	rddreg [dreg:$0x1];
	s4 =	sand.u32 $0x180, s2;
	s29 =	sand.u32 $0x380, s5  }
0x9: {  	s30 =	ssub.s32 $0x18680, s4;
	s5 =	sshrl.u32 s5, $0xA;
	p0 =	sne.s32 s29, $0x0  }
.Ltmp0:
0xa: {  	s8 =	sshrl.u32 s30, $0x9;
	s6 =	simm.s32 @!p0 $0x0;
	(pc) =	sbr.rel .LBB1_1-.Ltmp0, $4  }
0xb: {  	s2 =	rddreg [dreg:$0x2];
	s8 =	sadd.s32 $0x1, s8;
	s6 =	sadd.s32 s6, s5  }
0xc: {  	_ =	strace $0x8000004A;
	s5 =	simm.s32 $0x1;
	s6 =	smul.u32 s6, s8  }
0xd: {  	s13 =	smov.u32 s1;
	s12 =	smov.u32 s4;
	[sflag:s5] =	ssyncpa.u1 $0x0  }
0xe: {  	p0 =	por $0x0, $0x0;
	[sflag:s31] =	ssyncpa.u1 $0x0;
	s8 =	sadd.s32 $0x1, s6  }
.LBB1_4:
0xf: {  	s21 =	sshra.s32 s21, $0x2;
	s27 =	sshll.u32 s10, $0xA;
	s22 =	sshll.u32 s11, $0x3  }
0x10: {  	s23 =	sshll.u32 s10, $0x7;
	s24 =	sand.u32 $0x78, s11;
	p1 =	sgt.s32 s10, $0x18620  }
0x11: {  	s25 =	sshra.s32 s10, $0x1F;
	s26 =	sshra.s32 s11, $0x1F;
	s20 =	sadd.s32 s21, s20  }
0x12: {  	v5 =	vld [tilespmem:s18+$0xFFFFFFD0];
	[tilespmem:s19+$0x2040 ss:$0x81] =	vst.msk $0xffff, v4;
	s21 =	sand.u32 $0xFFFFE000, s27;
	s22 =	sand.u32 $0xFFFFFC00, s22;
	s28 =	sand.u32 $0x380, s23  }
0x13: {  	v58 =	vld [tilespmem:s18+$0xFFFFFFE0];
	[tilespmem:s19+$0x2850 ss:$0x81] =	vst.msk $0xffff, v3;
	s23 =	smov.u32 s10;
	s30 =	sand.u32 s25, s10;
	s25 =	smov.u32 s11  }
0x14: {  	v59 =	vld [tilespmem:s18+$0xFFFFFFF0];
	[tilespmem:s19+$0x3060 ss:$0x81] =	vst.msk $0xffff, v2;
	s31 =	sand.u32 s26, s11;
	s21 =	sadd.s32 s22, s21;
	s22 =	sor.u32 s24, s28  }
0x15: {  	v60 =	vld [tilespmem:s18+$0x0];
	[tilespmem:s19+$0x0 ss:$0x81] =	vst.msk $0xffff, v1;
	s23 =	simm.s32 @!p1 $0x18620;
	p1 =	sgt.s32 s11, $0x380;
	s21 =	sshrl.u32 s21, $0xA  }
0x16: {  	v61 =	vld [tilespmem:s18+$0x10];
	[tilespmem:s20+$0x3870 ss:$0x81] =	vst.msk $0xffff, v0;
	s19 =	ssub.s32 s23, s30;
	s25 =	simm.s32 @!p1 $0x380;
	s29 =	smulhi.u32 $0x53E2D7, s21  }
0x17: {  	v62 =	vld [tilespmem:s18+$0x20];
	s23 =	ssub.s32 s25, s31;
	s26 =	sadd.s32 $0xFFFE79E0, s19;
	s19 =	ssub.s32 $0x186A0, s19;
	[tilespmem:s20+$0x810 ss:$0x81] =	vst.msk $0xffff, v5  }
0x18: {  	v63 =	vld [tilespmem:s18+$0xFFFFFFC0];
	[tilespmem:s20+$0x1020 ss:$0x81] =	vst.msk $0xffff, v58;
	p1 =	sgt.s32 s26, $0x7F;
	s28 =	sadd.s32 $0xFFFFFC80, s23;
	s24 =	sshrl.u32 s29, $0x7  }
0x19: {  	[tilespmem:s20+$0x1830 ss:$0x81] =	vst.msk $0xffff, v59;
	s23 =	ssub.s32 $0x400, s23;
	p2 =	sgt.s32 s28, $0x7F;
	s27 =	smul.u32 $0x186A0, s24  }
0x1a: {  	s30 =	sand.u32 $0x7, s11;
	[tilespmem:s20+$0x2040 ss:$0x81] =	vst.msk $0xffff, v60;
	s19 =	simm.s32 @p1 $0x0;
	s23 =	simm.s32 @p2 $0x0  }
0x1b: {  	[tilespmem:s20+$0x2850 ss:$0x81] =	vst.msk $0xffff, v61;
	s29 =	sshrl.u32 s22, $0x3;
	s19 =	smul.u32 s23, s19;
	s18 =	ssub.s32 s21, s27  }
0x1c: {  	[tilespmem:s20+$0x3060 ss:$0x81] =	vst.msk $0xffff, v62;
	s22 =	sshll.u32 s30, $0x12;
	s21 =	sadd.s32 s3, s29;
	s18 =	sshll.u32 s18, $0x7  }
0x1d: {  	[tilespmem:s20+$0x0 ss:$0x81] =	vst.msk $0xffff, v63;
	s31 =	sor.u32 $0x400, s22;
	s19 =	sand.u32 $0x3FFFFFFF, s19;
	s18 =	sadd.s32 s18, s21  }
0x1e: {  	[hbm4b:s18+s31] =	stream.strided.scatter [tilespmem:s17], [sflag:$0x2], s19, s9, s31, $0x20;
	[tilespmem:$0x10100] =	vst v63  }
.LBB1_5:
0x1f: {  	p1 =	slt.u32 s14, $0x2  }
0x20: {  	s18 =	smov.u32 s16;
	p2 =	sgt.s32 @!p1 s16, $0x18620;
	s17 =	sshra.s32 @!p1 s16, $0x1F  }
0x21: {  	p3 =	sgt.s32 @!p1 s15, $0x380;
	s19 =	sshra.s32 @!p1 s15, $0x1F;
	p2 =	por !p2, p1  }
0x22: {  	s16 =	sand.u32 @!p1 s17, s16;
	p3 =	por !p3, p1;
	s17 =	smov.u32 s15  }
0x23: {  	s15 =	sand.u32 @!p1 s19, s15;
	s18 =	simm.s32 @p2 $0x18620;
	s17 =	simm.s32 @p3 $0x380  }
0x24: {  	s16 =	ssub.s32 @!p1 s18, s16;
	s15 =	ssub.s32 @!p1 s17, s15  }
0x25: {  	s19 =	smov.u32 s13;
	s17 =	sadd.s32 @!p1 $0xFFFE79E0, s16;
	s18 =	sadd.s32 @!p1 $0xFFFFFC80, s15  }
0x26: {  	s16 =	ssub.s32 @!p1 $0x186A0, s16;
	p2 =	sgt.s32 @!p1 s17, $0x7F;
	p3 =	sgt.s32 @!p1 s18, $0x7F  }
0x27: {  	s15 =	ssub.s32 @!p1 $0x400, s15;
	p2 =	por !p2, p1;
	p3 =	por !p3, p1  }
0x28: {  	s17 =	sadd.s32 $0x200, s12;
	s16 =	simm.s32 @!p2 $0x0;
	s15 =	simm.s32 @!p3 $0x0  }
0x29: {  	p2 =	sgt.s32 s17, $0x1869F;
	s15 =	smul.u32 @!p1 s15, s16;
	s16 =	sadd.s32 $0x400, s13  }
0x2a: {  	s19 =	smov.u32 @p2 s16  }
0x2b: {  	s17 =	smov.u32 @p2 s4;
	p2 =	sgt.s32 s19, $0x3FF  }
0x2c: {  	s19 =	smov.u32 @p2 s1;
	p2 =	sne.s32 s14, s8  }
.Ltmp1:
0x2d: {  	p0 =	por !p0, !p0;
	s18 =	simm.s32 @!p1 $0x2;
	(pc) =	sbr.rel @!p2 .LBB1_6-.Ltmp1, $4  }
0x2e: {  	s16 =	smov.u32 s10;
	s10 =	smov.u32 s12;
	s15 =	sand.u32 @!p1 $0x3FFFFFFF, s15  }
0x2f: {  	s12 =	smov.u32 s17;
	_ =	swait.ge @!p1 [sflag:s18], s15;
	s20 =	ssub.s32 @!p1 $0x0, s15  }
0x30: {  	s15 =	smov.u32 s11;
	s14 =	sadd.s32 $0x1, s14;
	[sflag:s18] =	ssyncset.done @!p1 $0x0  }
0x31: {  	s11 =	smov.u32 s13;
	s13 =	smov.u32 s19;
	[sflag:s18] =	ssyncadd.s32 @!p1 s20  }
.LBB1_1:
0x32: {  	p1 =	sge.u32 s14, s6  }
0x33: {  	s17 =	sshrl.u32 @!p1 s13, $0x3  }
0x34: {  	s18 =	sshll.u32 @!p1 s12, $0x3;
	s17 =	smul.u32 @!p1 $0xC3800, s17  }
0x35: {  	s19 =	sshll.u32 @!p1 s13, $0x7;
	s18 =	sand.u32 @!p1 $0xFFFFFC00, s18  }
0x36: {  	s17 =	sadd.s32 @!p1 s17, s18;
	s18 =	sand.u32 @!p1 $0x380, s19  }
0x37: {  	s19 =	sand.u32 @!p1 $0x7F, s12;
	s17 =	sor.u32 @!p1 s18, s17  }
0x38: {  	s18 =	sor.u32 @!p1 s19, s17  }
0x39: {  	s19 =	smulhi.u32 @!p1 $0xA79C7B17, s18;
	_ =	sdelay $0x1  }
0x3a: {  	s17 =	smulhi.u32 @!p1 $0xA79C7B17, s17;
	s19 =	sshrl.u32 @!p1 s19, $0x10  }
0x3b: {  	s19 =	smul.u32 @!p1 $0x18700, s19  }
0x3c: {  	s31 =	sadd.s32 $0xFFFFFFFF, s14;
	s20 =	sxor.u32 @!p1 $0xFFFFFFFF, s14;
	s17 =	sshrl.u32 @!p1 s17, $0x10  }
0x3d: {  	s20 =	sshll.u32 @!p1 s20, $0xE;
	s17 =	sand.u32 @!p1 $0x3FF, s17;
	s18 =	ssub.s32 @!p1 s18, s19  }
0x3e: {  	s17 =	smul.u32 @!p1 $0x30E0, s17;
	s19 =	sshrl.u32 @!p1 s18, $0x3;
	s18 =	sand.u32 @!p1 $0x7, s18  }
0x3f: {  	s20 =	sand.u32 @!p1 $0x4000, s20;
	s19 =	sadd.s32 @!p1 s7, s19;
	s18 =	sshll.u32 @!p1 s18, $0x12  }
0x40: {  	s17 =	sadd.s32 @!p1 s17, s19;
	s18 =	sor.u32 @!p1 $0x400, s18;
	s19 =	simm.s32 @!p1 $0xC3800  }
0x41: {  	[tilespmem:s20], [sflag:$0x1] =	stream.strided.gather @!p1 [hbm4b:s17+s18], $0x4000, s19, s18, $0x38;
	[tilespmem:$0x10100] =	vst v63  }
0x42: {  	p1 =	sge.u32 s31, s6  }
.Ltmp2:
0x43: {  	_ = 	snop;
	(pc) =	sbr.rel @p1 .LBB1_5-.Ltmp2, $1  }
0x44: {  	_ =	sdelay $0x3  }
0x45: {  	s17 =	simm.s32 $0x1  }
0x46: {  	_ =	swait.ge [sflag:s5], $0x4000;
	s17 =	simm.s32 @!p0 $0x0  }
0x47: {  	[sflag:s5] =	ssyncset.done $0x0;
	s18 =	sshll.u32 s17, $0xE  }
0x48: {  	[sflag:s5] =	ssyncadd.s32 $0xFFFFC000;
	s18 =	sor.u32 $0x40, s18  }
0x49: {  	s17 =	smul.u32 $0x10200, s17;
	v0 =	vld [tilespmem:s18+$0x30]  }
0x4a: {  	v1 =	vld [tilespmem:s18+$0xFFFFFFD0]  }
0x4b: {  	s17 =	sshrl.u32 s17, $0x2;
	v5 =	vld [tilespmem:s18+$0xFFFFFFE0]  }
0x4c: {  	v6 =	vld [tilespmem:s18+$0xFFFFFFF0];
	s20 =	sor.u32 $0x8000, s17  }
0x4d: {  	s31 =	sand.u32 $0x1, s14;
	v4 =	vld [tilespmem:s18+$0x0];
	s19 =	sadd.s32 $0x0, s20  }
0x4e: {  	v3 =	vld [tilespmem:s18+$0x10];
	s17 =	smul.u32 $0x10200, s31;
	[tilespmem:s19+$0x3870 ss:$0x81] =	vst.msk $0xffff, v0  }
0x4f: {  	v2 =	vld [tilespmem:s18+$0x20];
	[tilespmem:s19+$0x810 ss:$0x81] =	vst.msk $0xffff, v1  }
0x50: {  	s17 =	sshrl.u32 s17, $0x2;
	v1 =	vld [tilespmem:s18+$0xFFFFFFC0];
	[tilespmem:s19+$0x1020 ss:$0x81] =	vst.msk $0xffff, v5;
	s18 =	sadd.s32 $0x80, s18  }
0x51: {  	s21 =	simm.s32 $0x4;
	s22 =	simm.s32 $0x8;
	s17 =	sor.u32 $0x8000, s17;
	[tilespmem:s19+$0x1830 ss:$0x81] =	vst.msk $0xffff, v6;
	v0 =	vld [tilespmem:s18+$0x30]  }
.LBB1_3:
0x52: {  	p1 =	sne.s32 s22, $0x1FC;
	v5 =	vld [tilespmem:s18+$0xFFFFFFD0];
	[tilespmem:s19+$0x2040 ss:$0x81] =	vst.msk $0xffff, v4  }
0x53: {  	v6 =	vld [tilespmem:s18+$0xFFFFFFE0];
	[tilespmem:s19+$0x2850 ss:$0x81] =	vst.msk $0xffff, v3  }
0x54: {  	s23 =	sshra.s32 s21, $0x2;
	s21 =	smov.u32 s22;
	v7 =	vld [tilespmem:s18+$0xFFFFFFF0];
	[tilespmem:s19+$0x3060 ss:$0x81] =	vst.msk $0xffff, v2  }
.Ltmp3:
0x55: {  	v4 =	vld [tilespmem:s18+$0x0];
	[tilespmem:s19+$0x0 ss:$0x81] =	vst.msk $0xffff, v1;
	s19 =	sadd.s32 s23, s20;
	(pc) =	sbr.rel @p1 .LBB1_3-.Ltmp3, $4  }
0x56: {  	v3 =	vld [tilespmem:s18+$0x10];
	[tilespmem:s19+$0x3870 ss:$0x81] =	vst.msk $0xffff, v0  }
0x57: {  	[tilespmem:s19+$0x810 ss:$0x81] =	vst.msk $0xffff, v5;
	v2 =	vld [tilespmem:s18+$0x20]  }
0x58: {  	v1 =	vld [tilespmem:s18+$0xFFFFFFC0];
	[tilespmem:s19+$0x1020 ss:$0x81] =	vst.msk $0xffff, v6;
	s18 =	sadd.s32 $0x80, s18  }
0x59: {  	s22 =	sadd.s32 $0x4, s22;
	v0 =	vld [tilespmem:s18+$0x30];
	[tilespmem:s19+$0x1830 ss:$0x81] =	vst.msk $0xffff, v7  }
.Ltmp4:
0x5a: {  	_ = 	snop;
	(pc) =	sbr.rel .LBB1_4-.Ltmp4, $1  }
0x5b: {  	_ =	sdelay $0x3  }
.LBB1_6:
0x5c: {  	_ =	sfence.sel $0x180000  }
0x5d: {  	s1 =	simm.s32 $0x1;
	[bflag:$0x0] =	sbarrier.arrive $0xFFFF  }
0x5e: {  	s31 =	simm.s32 $0x2;
	[sflag:s1] =	ssyncpa.u1 $0x1  }
0x5f: {  	[sflag:s31] =	ssyncpa.u1 $0x1  }
0x60: {  	p0 =	sne.s32 s0, $0x0;
	_ =	strace $0x9000004A  }
0x61: {  	s0 =	sadd.s32 @!p0 $0x100000, s2;
	[bflag:$0x2] =	sbarrier.arrive $0xFFFF  }
0x62: {  	[sflag:s0] =	ssyncadd.tile.s32 @!p0 $0x1;
	_ =	shalt  }
.Lfunc_end1:
_tile_overlayer_lowered:
.L_overlay_start_2:
0x63: {  	(tag) =	ssettag $0x2  }
0x64: {  	s0 =	rddreg [dreg:$0x0];
	s2 =	stileid.u32  }
0x65: {  	s1 =	rddreg [dreg:$0x1];
	p0 =	sne.s32 s2, $0x0  }
0x66: {  	s3 =	rddreg [dreg:$0x2];
	[bflag:$0x3] =	sbarrier.arrive $0xFFFF;
	s2 =	simm.s32 @!p0 $0x1C01  }
0x67: {  	[timem:s3], [sflag:s2] =	dma.local @!p0 [hbm:s0], s1  }
0x68: {  	s0 =	simm.s32 @!p0 $0x1  }
0x69: {  	_ =	swait.ge @!p0 [sflag:s0], s1  }
0x6a: {  	s1 =	ssub.s32 @!p0 $0x0, s1;
	[sflag:s0] =	ssyncset.done @!p0 $0x0  }
0x6b: {  	[sflag:s0] =	ssyncadd.s32 @!p0 s1  }
0x6c: {  	[bflag:$0x3] =	sbarrier.arrive $0xFFFF  }
0x6d: {  	_ =	shalt  }

</sc_bundles>
